<compile_context>
chip_gen: v7x
topology: tpu7x:2x2x1
jax: 0.10.2.dev20260603
libtpu: 0.0.44.dev20260713+nightly
codegen_flags: <defaults>
</compile_context>

<pallas_src>
import functools

import jax
import jax.numpy as jnp
from jax import lax
from jax.experimental import pallas as pl
from jax.experimental.pallas import tpu as pltpu
from jax.experimental.pallas import tpu_sc as plsc

N_NODES = 10000
DEG = 32
D = 128

N_TC = 7440
S_SC = N_NODES - N_TC
BN = 240
BNB = 80
NBLK_TC = N_TC // BN
NBLK_SC = S_SC // BNB
OFF_B = N_TC // BNB

NW = 32
NS = 16
NPW = S_SC // NW
CH = 8
NBUF = 2
NCH = NPW // CH


def _fused_low_body(x_ref, neigh_ref, wx_ref, bx_ref, wn_ref, bn_ref, out_ref):
    nb = neigh_ref[...].reshape(BN, DEG, D)
    agg = jnp.sum(nb, axis=1)
    h_x = lax.dot_general(
        x_ref[...], wx_ref[...], (((1,), (1,)), ((), ())),
        preferred_element_type=jnp.float32)
    h_n = lax.dot_general(
        agg, wn_ref[...], (((1,), (1,)), ((), ())),
        preferred_element_type=jnp.float32)
    out_ref[:, :D] = jnp.maximum(h_x + bx_ref[...], 0.0)
    out_ref[:, D:] = jnp.maximum(h_n + bn_ref[...], 0.0)


def _high_body(prev_ref, x_ref, agg_ref, wx_ref, bx_ref, wn_ref, bn_ref,
               out_ref):
    del prev_ref
    h_x = lax.dot_general(
        x_ref[...], wx_ref[...], (((1,), (1,)), ((), ())),
        preferred_element_type=jnp.float32)
    h_n = lax.dot_general(
        agg_ref[...], wn_ref[...], (((1,), (1,)), ((), ())),
        preferred_element_type=jnp.float32)
    out_ref[:, :D] = jnp.maximum(h_x + bx_ref[...], 0.0)
    out_ref[:, D:] = jnp.maximum(h_n + bn_ref[...], 0.0)


_SC_MESH = plsc.VectorSubcoreMesh(core_axis_name="c", subcore_axis_name="s")


@functools.partial(
    pl.kernel,
    out_type=jax.ShapeDtypeStruct((S_SC, D), jnp.float32),
    mesh=_SC_MESH,
    scratch_types=[
        pltpu.VMEM((CH * DEG, D), jnp.float32),
        pltpu.VMEM((CH * DEG, D), jnp.float32),
        pltpu.VMEM((CH, D), jnp.float32),
        pltpu.VMEM((128,), jnp.int32),
        pltpu.VMEM((128,), jnp.int32),
        pltpu.VMEM_SHARED((NW * CH, D), jnp.float32),
        pltpu.SemaphoreType.DMA,
        pltpu.SemaphoreType.DMA,
    ],
)
def _sc_agg(neigh_hbm, agg_hbm, buf0, buf1, zbuf, idx_a, idx_b, shared,
            sem0, sem1):
    cid = lax.axis_index("c")
    sid = lax.axis_index("s")
    wid = sid * 2 + cid
    base_node = wid * NPW
    slot0 = wid * CH

    for n in range(CH):
        for g in range(D // 16):
            zbuf[n, pl.ds(g * 16, 16)] = jnp.zeros((16,), jnp.float32)
    for k in range(8):
        idx_a[pl.ds(k * 16, 16)] = jnp.full((16,), k // 2, jnp.int32) + slot0
        idx_b[pl.ds(k * 16, 16)] = jnp.full((16,), 4 + k // 2, jnp.int32) + slot0

    def src_slice(c):
        row0 = (N_TC + base_node + c * CH) * DEG
        return neigh_hbm.at[pl.ds(row0, CH * DEG)]

    pltpu.async_copy(src_slice(0), buf0, sem0)
    pltpu.async_copy(src_slice(1), buf1, sem1)

    def body(i, carry):
        for b in range(NBUF):
            buf, sem = ((buf0, sem0), (buf1, sem1))[b]
            c = i * NBUF + b
            pltpu.sync_copy(zbuf, shared.at[pl.ds(slot0, CH)])
            pltpu.make_async_copy(src_slice(c), buf, sem).wait()
            pltpu.sync_copy(buf.at[pl.ds(0, 128)], shared.at[idx_a], add=True)
            pltpu.sync_copy(buf.at[pl.ds(128, 128)], shared.at[idx_b], add=True)

            @pl.when(c + NBUF < NCH)
            def _():
                pltpu.async_copy(src_slice(c + NBUF), buf, sem)

            pltpu.sync_copy(shared.at[pl.ds(slot0, CH)],
                            agg_hbm.at[pl.ds(base_node + c * CH, CH)])
        return carry

    lax.fori_loop(0, NCH // NBUF, body, 0)


@jax.jit
def _hybrid(x, neigh, W_x, b_x, W_n, b_n):
    agg_hi = _sc_agg(neigh)

    out_low = pl.pallas_call(
        _fused_low_body,
        grid=(NBLK_TC,),
        in_specs=[
            pl.BlockSpec((BN, D), lambda i: (i, 0)),
            pl.BlockSpec((BN * DEG, D), lambda i: (i, 0)),
            pl.BlockSpec((D, D), lambda i: (0, 0)),
            pl.BlockSpec((1, D), lambda i: (0, 0)),
            pl.BlockSpec((D, D), lambda i: (0, 0)),
            pl.BlockSpec((1, D), lambda i: (0, 0)),
        ],
        out_specs=pl.BlockSpec((BN, 2 * D), lambda i: (i, 0)),
        out_shape=jax.ShapeDtypeStruct((N_NODES, 2 * D), jnp.float32),
    )(x, neigh, W_x, b_x, W_n, b_n)

    out = pl.pallas_call(
        _high_body,
        grid=(NBLK_SC,),
        in_specs=[
            pl.BlockSpec(memory_space=pl.ANY),
            pl.BlockSpec((BNB, D), lambda i: (OFF_B + i, 0)),
            pl.BlockSpec((BNB, D), lambda i: (i, 0)),
            pl.BlockSpec((D, D), lambda i: (0, 0)),
            pl.BlockSpec((1, D), lambda i: (0, 0)),
            pl.BlockSpec((D, D), lambda i: (0, 0)),
            pl.BlockSpec((1, D), lambda i: (0, 0)),
        ],
        out_specs=pl.BlockSpec((BNB, 2 * D), lambda i: (OFF_B + i, 0)),
        out_shape=jax.ShapeDtypeStruct((N_NODES, 2 * D), jnp.float32),
        input_output_aliases={0: 0},
    )(out_low, x, agg_hi, W_x, b_x, W_n, b_n)
    return out


def kernel(x, neigh, W_x, b_x, W_n, b_n):
    wn_s = W_n.reshape(D, D) * (1.0 / DEG)
    return _hybrid(x, neigh, W_x.reshape(D, D), b_x.reshape(1, D),
                   wn_s, b_n.reshape(1, D))

# --- scband reference (transcript-rebuilt; emitter-appended) ---
"""Pipeline reference for scband-mean-agg-83562883711042 (READ-ONLY COPY).

The authoritative reference and input builder live on the scoring server;
editing this copy changes nothing except your own understanding.
"""

import jax, jax.numpy as jnp
import numpy as np

N_NODES = 10000
DEG = 32
IN_FEATS = 128
OUT_FEATS = 128


def setup_inputs(seed: int = 0) -> dict:
    key = jax.random.key(seed)
    k_x, k_n, k_wx, k_bx, k_wn, k_bn = jax.random.split(key, 6)
    x = jax.random.normal(k_x, (N_NODES, IN_FEATS), dtype=jnp.float32)
    neigh = jax.random.normal(k_n, (N_NODES * DEG, IN_FEATS), dtype=jnp.float32)
    # nn.Linear params: weight [out, in], bias [out]; kaiming-uniform-ish init
    bound_w = 1.0 / np.sqrt(IN_FEATS)
    W_x = jax.random.uniform(k_wx, (OUT_FEATS, IN_FEATS), minval=-bound_w, maxval=bound_w, dtype=jnp.float32)
    b_x = jax.random.uniform(k_bx, (OUT_FEATS,), minval=-bound_w, maxval=bound_w, dtype=jnp.float32)
    W_n = jax.random.uniform(k_wn, (OUT_FEATS, IN_FEATS), minval=-bound_w, maxval=bound_w, dtype=jnp.float32)
    b_n = jax.random.uniform(k_bn, (OUT_FEATS,), minval=-bound_w, maxval=bound_w, dtype=jnp.float32)
    return {"x": x, "neigh": neigh, "W_x": W_x, "b_x": b_x, "W_n": W_n, "b_n": b_n}


def reference(x, neigh, W_x, b_x, W_n, b_n):
    # agg_neigh = neigh.view(x.size(0), -1, neigh.size(1)).mean(dim=1)
    agg_neigh = neigh.reshape(x.shape[0], -1, neigh.shape[1]).mean(axis=1)
    # output = cat([fc_x(x), fc_neigh(agg_neigh)], dim=1)
    h_x = x @ W_x.T + b_x
    h_n = agg_neigh @ W_n.T + b_n
    output = jnp.concatenate([h_x, h_n], axis=1)
    return jax.nn.relu(output)

if __name__ == "__main__":
    import jax
    _d = setup_inputs()
    print(jax.jit(kernel)(*tuple(_d.values())))

</pallas_src>

<mosaic_0001>
#map = affine_map<(d0, d1) -> (0, 0)>
module attributes {stable_mosaic.version = 14 : i64} {
  func.func @_sc_agg(%arg0: i32, %arg1: i32, %arg2: memref<320000x128xf32, #tpu.memory_space<hbm>>, %arg3: memref<2560x128xf32, #tpu.memory_space<hbm>>, %arg4: memref<256x128xf32, #tpu.memory_space<vmem>>, %arg5: memref<256x128xf32, #tpu.memory_space<vmem>>, %arg6: memref<8x128xf32, #tpu.memory_space<vmem>>, %arg7: memref<128xi32, #tpu.memory_space<vmem>>, %arg8: memref<128xi32, #tpu.memory_space<vmem>>, %arg9: memref<256x128xf32, #tpu.memory_space<vmem_shared>>, %arg10: memref<!tpu.dma_semaphore, #tpu.memory_space<semaphore_mem>>, %arg11: memref<!tpu.dma_semaphore, #tpu.memory_space<semaphore_mem>>) attributes {dimension_semantics = [#tpu.dimension_semantics<core_parallel>, #tpu.dimension_semantics<subcore_parallel>], iteration_bounds = array<i64: 2, 16>, scalar_prefetch = 0 : i64, scratch_operands = 8 : i64, tpu.core_type = #tpu.core_type<sc_vector_subcore>, window_params = [{transform_indices = #map}, {transform_indices = #map}]} {
    %mul3A = arith.constant 2 : i32
    %mul3A_0 = arith.muli %arg1, %mul3A : i32
    %add3A = arith.addi %mul3A_0, %arg0 : i32
    %mul3A_1 = arith.constant 80 : i32
    %mul3A_2 = arith.muli %add3A, %mul3A_1 : i32
    %mul3A_3 = arith.constant 8 : i32
    %mul3A_4 = arith.muli %add3A, %mul3A_3 : i32
    %broadcast_in_dim3A = arith.constant 0.000000e+00 : f32
    %broadcast_in_dim3A_5 = vector.broadcast %broadcast_in_dim3A : f32 to vector<16xf32>
    %swap3A = arith.constant 0 : i32
    %swap3A_6 = arith.index_cast %swap3A : i32 to index
    %swap3A_7 = arith.constant 0 : index
    %swap3A_8 = tpu.vector_load %arg6[%swap3A_6, %swap3A_7] {strides = array<i32>} : memref<8x128xf32, #tpu.memory_space<vmem>>, vector<1x16xf32>,
    %swap3A_9 = vector.shape_cast %swap3A_8 : vector<1x16xf32> to vector<16xf32>
    %swap3A_10 = vector.shape_cast %broadcast_in_dim3A_5 : vector<16xf32> to vector<1x16xf32>
    tpu.vector_store %arg6[%swap3A_6, %swap3A_7], %swap3A_10 {strides = array<i32>} : memref<8x128xf32, #tpu.memory_space<vmem>>, vector<1x16xf32>,
    %broadcast_in_dim3A_11 = arith.constant 0.000000e+00 : f32
    %broadcast_in_dim3A_12 = vector.broadcast %broadcast_in_dim3A_11 : f32 to vector<16xf32>
    %swap3A_13 = arith.constant 0 : i32
    %swap3A_14 = arith.index_cast %swap3A_13 : i32 to index
    %swap3A_15 = arith.constant 16 : index
    %swap3A_16 = tpu.vector_load %arg6[%swap3A_14, %swap3A_15] {strides = array<i32>} : memref<8x128xf32, #tpu.memory_space<vmem>>, vector<1x16xf32>,
    %swap3A_17 = vector.shape_cast %swap3A_16 : vector<1x16xf32> to vector<16xf32>
    %swap3A_18 = vector.shape_cast %broadcast_in_dim3A_12 : vector<16xf32> to vector<1x16xf32>
    tpu.vector_store %arg6[%swap3A_14, %swap3A_15], %swap3A_18 {strides = array<i32>} : memref<8x128xf32, #tpu.memory_space<vmem>>, vector<1x16xf32>,
    %broadcast_in_dim3A_19 = arith.constant 0.000000e+00 : f32
    %broadcast_in_dim3A_20 = vector.broadcast %broadcast_in_dim3A_19 : f32 to vector<16xf32>
    %swap3A_21 = arith.constant 0 : i32
    %swap3A_22 = arith.index_cast %swap3A_21 : i32 to index
    %swap3A_23 = arith.constant 32 : index
    %swap3A_24 = tpu.vector_load %arg6[%swap3A_22, %swap3A_23] {strides = array<i32>} : memref<8x128xf32, #tpu.memory_space<vmem>>, vector<1x16xf32>,
    %swap3A_25 = vector.shape_cast %swap3A_24 : vector<1x16xf32> to vector<16xf32>
    %swap3A_26 = vector.shape_cast %broadcast_in_dim3A_20 : vector<16xf32> to vector<1x16xf32>
    tpu.vector_store %arg6[%swap3A_22, %swap3A_23], %swap3A_26 {strides = array<i32>} : memref<8x128xf32, #tpu.memory_space<vmem>>, vector<1x16xf32>,
    %broadcast_in_dim3A_27 = arith.constant 0.000000e+00 : f32
    %broadcast_in_dim3A_28 = vector.broadcast %broadcast_in_dim3A_27 : f32 to vector<16xf32>
    %swap3A_29 = arith.constant 0 : i32
    %swap3A_30 = arith.index_cast %swap3A_29 : i32 to index
    %swap3A_31 = arith.constant 48 : index
    %swap3A_32 = tpu.vector_load %arg6[%swap3A_30, %swap3A_31] {strides = array<i32>} : memref<8x128xf32, #tpu.memory_space<vmem>>, vector<1x16xf32>,
    %swap3A_33 = vector.shape_cast %swap3A_32 : vector<1x16xf32> to vector<16xf32>
    %swap3A_34 = vector.shape_cast %broadcast_in_dim3A_28 : vector<16xf32> to vector<1x16xf32>
    tpu.vector_store %arg6[%swap3A_30, %swap3A_31], %swap3A_34 {strides = array<i32>} : memref<8x128xf32, #tpu.memory_space<vmem>>, vector<1x16xf32>,
    %broadcast_in_dim3A_35 = arith.constant 0.000000e+00 : f32
    %broadcast_in_dim3A_36 = vector.broadcast %broadcast_in_dim3A_35 : f32 to vector<16xf32>
    %swap3A_37 = arith.constant 0 : i32
    %swap3A_38 = arith.index_cast %swap3A_37 : i32 to index
    %swap3A_39 = arith.constant 64 : index
    %swap3A_40 = tpu.vector_load %arg6[%swap3A_38, %swap3A_39] {strides = array<i32>} : memref<8x128xf32, #tpu.memory_space<vmem>>, vector<1x16xf32>,
    %swap3A_41 = vector.shape_cast %swap3A_40 : vector<1x16xf32> to vector<16xf32>
    %swap3A_42 = vector.shape_cast %broadcast_in_dim3A_36 : vector<16xf32> to vector<1x16xf32>
    tpu.vector_store %arg6[%swap3A_38, %swap3A_39], %swap3A_42 {strides = array<i32>} : memref<8x128xf32, #tpu.memory_space<vmem>>, vector<1x16xf32>,
    %broadcast_in_dim3A_43 = arith.constant 0.000000e+00 : f32
    %broadcast_in_dim3A_44 = vector.broadcast %broadcast_in_dim3A_43 : f32 to vector<16xf32>
    %swap3A_45 = arith.constant 0 : i32
    %swap3A_46 = arith.index_cast %swap3A_45 : i32 to index
    %swap3A_47 = arith.constant 80 : index
    %swap3A_48 = tpu.vector_load %arg6[%swap3A_46, %swap3A_47] {strides = array<i32>} : memref<8x128xf32, #tpu.memory_space<vmem>>, vector<1x16xf32>,
    %swap3A_49 = vector.shape_cast %swap3A_48 : vector<1x16xf32> to vector<16xf32>
    %swap3A_50 = vector.shape_cast %broadcast_in_dim3A_44 : vector<16xf32> to vector<1x16xf32>
    tpu.vector_store %arg6[%swap3A_46, %swap3A_47], %swap3A_50 {strides = array<i32>} : memref<8x128xf32, #tpu.memory_space<vmem>>, vector<1x16xf32>,
    %broadcast_in_dim3A_51 = arith.constant 0.000000e+00 : f32
    %broadcast_in_dim3A_52 = vector.broadcast %broadcast_in_dim3A_51 : f32 to vector<16xf32>
    %swap3A_53 = arith.constant 0 : i32
    %swap3A_54 = arith.index_cast %swap3A_53 : i32 to index
    %swap3A_55 = arith.constant 96 : index
    %swap3A_56 = tpu.vector_load %arg6[%swap3A_54, %swap3A_55] {strides = array<i32>} : memref<8x128xf32, #tpu.memory_space<vmem>>, vector<1x16xf32>,
    %swap3A_57 = vector.shape_cast %swap3A_56 : vector<1x16xf32> to vector<16xf32>
    %swap3A_58 = vector.shape_cast %broadcast_in_dim3A_52 : vector<16xf32> to vector<1x16xf32>
    tpu.vector_store %arg6[%swap3A_54, %swap3A_55], %swap3A_58 {strides = array<i32>} : memref<8x128xf32, #tpu.memory_space<vmem>>, vector<1x16xf32>,
    %broadcast_in_dim3A_59 = arith.constant 0.000000e+00 : f32
    %broadcast_in_dim3A_60 = vector.broadcast %broadcast_in_dim3A_59 : f32 to vector<16xf32>
    %swap3A_61 = arith.constant 0 : i32
    %swap3A_62 = arith.index_cast %swap3A_61 : i32 to index
    %swap3A_63 = arith.constant 112 : index
    %swap3A_64 = tpu.vector_load %arg6[%swap3A_62, %swap3A_63] {strides = array<i32>} : memref<8x128xf32, #tpu.memory_space<vmem>>, vector<1x16xf32>,
    %swap3A_65 = vector.shape_cast %swap3A_64 : vector<1x16xf32> to vector<16xf32>
    %swap3A_66 = vector.shape_cast %broadcast_in_dim3A_60 : vector<16xf32> to vector<1x16xf32>
    tpu.vector_store %arg6[%swap3A_62, %swap3A_63], %swap3A_66 {strides = array<i32>} : memref<8x128xf32, #tpu.memory_space<vmem>>, vector<1x16xf32>,
    %broadcast_in_dim3A_67 = arith.constant 0.000000e+00 : f32
    %broadcast_in_dim3A_68 = vector.broadcast %broadcast_in_dim3A_67 : f32 to vector<16xf32>
    %swap3A_69 = arith.constant 1 : i32
    %swap3A_70 = arith.index_cast %swap3A_69 : i32 to index
    %swap3A_71 = arith.constant 0 : index
    %swap3A_72 = tpu.vector_load %arg6[%swap3A_70, %swap3A_71] {strides = array<i32>} : memref<8x128xf32, #tpu.memory_space<vmem>>, vector<1x16xf32>,
    %swap3A_73 = vector.shape_cast %swap3A_72 : vector<1x16xf32> to vector<16xf32>
    %swap3A_74 = vector.shape_cast %broadcast_in_dim3A_68 : vector<16xf32> to vector<1x16xf32>
    tpu.vector_store %arg6[%swap3A_70, %swap3A_71], %swap3A_74 {strides = array<i32>} : memref<8x128xf32, #tpu.memory_space<vmem>>, vector<1x16xf32>,
    %broadcast_in_dim3A_75 = arith.constant 0.000000e+00 : f32
    %broadcast_in_dim3A_76 = vector.broadcast %broadcast_in_dim3A_75 : f32 to vector<16xf32>
    %swap3A_77 = arith.constant 1 : i32
    %swap3A_78 = arith.index_cast %swap3A_77 : i32 to index
    %swap3A_79 = arith.constant 16 : index
    %swap3A_80 = tpu.vector_load %arg6[%swap3A_78, %swap3A_79] {strides = array<i32>} : memref<8x128xf32, #tpu.memory_space<vmem>>, vector<1x16xf32>,
    %swap3A_81 = vector.shape_cast %swap3A_80 : vector<1x16xf32> to vector<16xf32>
    %swap3A_82 = vector.shape_cast %broadcast_in_dim3A_76 : vector<16xf32> to vector<1x16xf32>
    tpu.vector_store %arg6[%swap3A_78, %swap3A_79], %swap3A_82 {strides = array<i32>} : memref<8x128xf32, #tpu.memory_space<vmem>>, vector<1x16xf32>,
    %broadcast_in_dim3A_83 = arith.constant 0.000000e+00 : f32
    %broadcast_in_dim3A_84 = vector.broadcast %broadcast_in_dim3A_83 : f32 to vector<16xf32>
    %swap3A_85 = arith.constant 1 : i32
    %swap3A_86 = arith.index_cast %swap3A_85 : i32 to index
    %swap3A_87 = arith.constant 32 : index
    %swap3A_88 = tpu.vector_load %arg6[%swap3A_86, %swap3A_87] {strides = array<i32>} : memref<8x128xf32, #tpu.memory_space<vmem>>, vector<1x16xf32>,
    %swap3A_89 = vector.shape_cast %swap3A_88 : vector<1x16xf32> to vector<16xf32>
    %swap3A_90 = vector.shape_cast %broadcast_in_dim3A_84 : vector<16xf32> to vector<1x16xf32>
    tpu.vector_store %arg6[%swap3A_86, %swap3A_87], %swap3A_90 {strides = array<i32>} : memref<8x128xf32, #tpu.memory_space<vmem>>, vector<1x16xf32>,
    %broadcast_in_dim3A_91 = arith.constant 0.000000e+00 : f32
    %broadcast_in_dim3A_92 = vector.broadcast %broadcast_in_dim3A_91 : f32 to vector<16xf32>
    %swap3A_93 = arith.constant 1 : i32
    %swap3A_94 = arith.index_cast %swap3A_93 : i32 to index
    %swap3A_95 = arith.constant 48 : index
    %swap3A_96 = tpu.vector_load %arg6[%swap3A_94, %swap3A_95] {strides = array<i32>} : memref<8x128xf32, #tpu.memory_space<vmem>>, vector<1x16xf32>,
    %swap3A_97 = vector.shape_cast %swap3A_96 : vector<1x16xf32> to vector<16xf32>
    %swap3A_98 = vector.shape_cast %broadcast_in_dim3A_92 : vector<16xf32> to vector<1x16xf32>
    tpu.vector_store %arg6[%swap3A_94, %swap3A_95], %swap3A_98 {strides = array<i32>} : memref<8x128xf32, #tpu.memory_space<vmem>>, vector<1x16xf32>,
    %broadcast_in_dim3A_99 = arith.constant 0.000000e+00 : f32
    %broadcast_in_dim3A_100 = vector.broadcast %broadcast_in_dim3A_99 : f32 to vector<16xf32>
    %swap3A_101 = arith.constant 1 : i32
    %swap3A_102 = arith.index_cast %swap3A_101 : i32 to index
    %swap3A_103 = arith.constant 64 : index
    %swap3A_104 = tpu.vector_load %arg6[%swap3A_102, %swap3A_103] {strides = array<i32>} : memref<8x128xf32, #tpu.memory_space<vmem>>, vector<1x16xf32>,
    %swap3A_105 = vector.shape_cast %swap3A_104 : vector<1x16xf32> to vector<16xf32>
    %swap3A_106 = vector.shape_cast %broadcast_in_dim3A_100 : vector<16xf32> to vector<1x16xf32>
    tpu.vector_store %arg6[%swap3A_102, %swap3A_103], %swap3A_106 {strides = array<i32>} : memref<8x128xf32, #tpu.memory_space<vmem>>, vector<1x16xf32>,
    %broadcast_in_dim3A_107 = arith.constant 0.000000e+00 : f32
    %broadcast_in_dim3A_108 = vector.broadcast %broadcast_in_dim3A_107 : f32 to vector<16xf32>
    %swap3A_109 = arith.constant 1 : i32
    %swap3A_110 = arith.index_cast %swap3A_109 : i32 to index
    %swap3A_111 = arith.constant 80 : index
    %swap3A_112 = tpu.vector_load %arg6[%swap3A_110, %swap3A_111] {strides = array<i32>} : memref<8x128xf32, #tpu.memory_space<vmem>>, vector<1x16xf32>,
    %swap3A_113 = vector.shape_cast %swap3A_112 : vector<1x16xf32> to vector<16xf32>
    %swap3A_114 = vector.shape_cast %broadcast_in_dim3A_108 : vector<16xf32> to vector<1x16xf32>
    tpu.vector_store %arg6[%swap3A_110, %swap3A_111], %swap3A_114 {strides = array<i32>} : memref<8x128xf32, #tpu.memory_space<vmem>>, vector<1x16xf32>,
    %broadcast_in_dim3A_115 = arith.constant 0.000000e+00 : f32
    %broadcast_in_dim3A_116 = vector.broadcast %broadcast_in_dim3A_115 : f32 to vector<16xf32>
    %swap3A_117 = arith.constant 1 : i32
    %swap3A_118 = arith.index_cast %swap3A_117 : i32 to index
    %swap3A_119 = arith.constant 96 : index
    %swap3A_120 = tpu.vector_load %arg6[%swap3A_118, %swap3A_119] {strides = array<i32>} : memref<8x128xf32, #tpu.memory_space<vmem>>, vector<1x16xf32>,
    %swap3A_121 = vector.shape_cast %swap3A_120 : vector<1x16xf32> to vector<16xf32>
    %swap3A_122 = vector.shape_cast %broadcast_in_dim3A_116 : vector<16xf32> to vector<1x16xf32>
    tpu.vector_store %arg6[%swap3A_118, %swap3A_119], %swap3A_122 {strides = array<i32>} : memref<8x128xf32, #tpu.memory_space<vmem>>, vector<1x16xf32>,
    %broadcast_in_dim3A_123 = arith.constant 0.000000e+00 : f32
    %broadcast_in_dim3A_124 = vector.broadcast %broadcast_in_dim3A_123 : f32 to vector<16xf32>
    %swap3A_125 = arith.constant 1 : i32
    %swap3A_126 = arith.index_cast %swap3A_125 : i32 to index
    %swap3A_127 = arith.constant 112 : index
    %swap3A_128 = tpu.vector_load %arg6[%swap3A_126, %swap3A_127] {strides = array<i32>} : memref<8x128xf32, #tpu.memory_space<vmem>>, vector<1x16xf32>,
    %swap3A_129 = vector.shape_cast %swap3A_128 : vector<1x16xf32> to vector<16xf32>
    %swap3A_130 = vector.shape_cast %broadcast_in_dim3A_124 : vector<16xf32> to vector<1x16xf32>
    tpu.vector_store %arg6[%swap3A_126, %swap3A_127], %swap3A_130 {strides = array<i32>} : memref<8x128xf32, #tpu.memory_space<vmem>>, vector<1x16xf32>,
    %broadcast_in_dim3A_131 = arith.constant 0.000000e+00 : f32
    %broadcast_in_dim3A_132 = vector.broadcast %broadcast_in_dim3A_131 : f32 to vector<16xf32>
    %swap3A_133 = arith.constant 2 : i32
    %swap3A_134 = arith.index_cast %swap3A_133 : i32 to index
    %swap3A_135 = arith.constant 0 : index
    %swap3A_136 = tpu.vector_load %arg6[%swap3A_134, %swap3A_135] {strides = array<i32>} : memref<8x128xf32, #tpu.memory_space<vmem>>, vector<1x16xf32>,
    %swap3A_137 = vector.shape_cast %swap3A_136 : vector<1x16xf32> to vector<16xf32>
    %swap3A_138 = vector.shape_cast %broadcast_in_dim3A_132 : vector<16xf32> to vector<1x16xf32>
    tpu.vector_store %arg6[%swap3A_134, %swap3A_135], %swap3A_138 {strides = array<i32>} : memref<8x128xf32, #tpu.memory_space<vmem>>, vector<1x16xf32>,
    %broadcast_in_dim3A_139 = arith.constant 0.000000e+00 : f32
    %broadcast_in_dim3A_140 = vector.broadcast %broadcast_in_dim3A_139 : f32 to vector<16xf32>
    %swap3A_141 = arith.constant 2 : i32
    %swap3A_142 = arith.index_cast %swap3A_141 : i32 to index
    %swap3A_143 = arith.constant 16 : index
    %swap3A_144 = tpu.vector_load %arg6[%swap3A_142, %swap3A_143] {strides = array<i32>} : memref<8x128xf32, #tpu.memory_space<vmem>>, vector<1x16xf32>,
    %swap3A_145 = vector.shape_cast %swap3A_144 : vector<1x16xf32> to vector<16xf32>
    %swap3A_146 = vector.shape_cast %broadcast_in_dim3A_140 : vector<16xf32> to vector<1x16xf32>
    tpu.vector_store %arg6[%swap3A_142, %swap3A_143], %swap3A_146 {strides = array<i32>} : memref<8x128xf32, #tpu.memory_space<vmem>>, vector<1x16xf32>,
    %broadcast_in_dim3A_147 = arith.constant 0.000000e+00 : f32
    %broadcast_in_dim3A_148 = vector.broadcast %broadcast_in_dim3A_147 : f32 to vector<16xf32>
    %swap3A_149 = arith.constant 2 : i32
    %swap3A_150 = arith.index_cast %swap3A_149 : i32 to index
    %swap3A_151 = arith.constant 32 : index
    %swap3A_152 = tpu.vector_load %arg6[%swap3A_150, %swap3A_151] {strides = array<i32>} : memref<8x128xf32, #tpu.memory_space<vmem>>, vector<1x16xf32>,
    %swap3A_153 = vector.shape_cast %swap3A_152 : vector<1x16xf32> to vector<16xf32>
    %swap3A_154 = vector.shape_cast %broadcast_in_dim3A_148 : vector<16xf32> to vector<1x16xf32>
    tpu.vector_store %arg6[%swap3A_150, %swap3A_151], %swap3A_154 {strides = array<i32>} : memref<8x128xf32, #tpu.memory_space<vmem>>, vector<1x16xf32>,
    %broadcast_in_dim3A_155 = arith.constant 0.000000e+00 : f32
    %broadcast_in_dim3A_156 = vector.broadcast %broadcast_in_dim3A_155 : f32 to vector<16xf32>
    %swap3A_157 = arith.constant 2 : i32
    %swap3A_158 = arith.index_cast %swap3A_157 : i32 to index
    %swap3A_159 = arith.constant 48 : index
    %swap3A_160 = tpu.vector_load %arg6[%swap3A_158, %swap3A_159] {strides = array<i32>} : memref<8x128xf32, #tpu.memory_space<vmem>>, vector<1x16xf32>,
    %swap3A_161 = vector.shape_cast %swap3A_160 : vector<1x16xf32> to vector<16xf32>
    %swap3A_162 = vector.shape_cast %broadcast_in_dim3A_156 : vector<16xf32> to vector<1x16xf32>
    tpu.vector_store %arg6[%swap3A_158, %swap3A_159], %swap3A_162 {strides = array<i32>} : memref<8x128xf32, #tpu.memory_space<vmem>>, vector<1x16xf32>,
    %broadcast_in_dim3A_163 = arith.constant 0.000000e+00 : f32
    %broadcast_in_dim3A_164 = vector.broadcast %broadcast_in_dim3A_163 : f32 to vector<16xf32>
    %swap3A_165 = arith.constant 2 : i32
    %swap3A_166 = arith.index_cast %swap3A_165 : i32 to index
    %swap3A_167 = arith.constant 64 : index
    %swap3A_168 = tpu.vector_load %arg6[%swap3A_166, %swap3A_167] {strides = array<i32>} : memref<8x128xf32, #tpu.memory_space<vmem>>, vector<1x16xf32>,
    %swap3A_169 = vector.shape_cast %swap3A_168 : vector<1x16xf32> to vector<16xf32>
    %swap3A_170 = vector.shape_cast %broadcast_in_dim3A_164 : vector<16xf32> to vector<1x16xf32>
    tpu.vector_store %arg6[%swap3A_166, %swap3A_167], %swap3A_170 {strides = array<i32>} : memref<8x128xf32, #tpu.memory_space<vmem>>, vector<1x16xf32>,
    %broadcast_in_dim3A_171 = arith.constant 0.000000e+00 : f32
    %broadcast_in_dim3A_172 = vector.broadcast %broadcast_in_dim3A_171 : f32 to vector<16xf32>
    %swap3A_173 = arith.constant 2 : i32
    %swap3A_174 = arith.index_cast %swap3A_173 : i32 to index
    %swap3A_175 = arith.constant 80 : index
    %swap3A_176 = tpu.vector_load %arg6[%swap3A_174, %swap3A_175] {strides = array<i32>} : memref<8x128xf32, #tpu.memory_space<vmem>>, vector<1x16xf32>,
    %swap3A_177 = vector.shape_cast %swap3A_176 : vector<1x16xf32> to vector<16xf32>
    %swap3A_178 = vector.shape_cast %broadcast_in_dim3A_172 : vector<16xf32> to vector<1x16xf32>
    tpu.vector_store %arg6[%swap3A_174, %swap3A_175], %swap3A_178 {strides = array<i32>} : memref<8x128xf32, #tpu.memory_space<vmem>>, vector<1x16xf32>,
    %broadcast_in_dim3A_179 = arith.constant 0.000000e+00 : f32
    %broadcast_in_dim3A_180 = vector.broadcast %broadcast_in_dim3A_179 : f32 to vector<16xf32>
    %swap3A_181 = arith.constant 2 : i32
    %swap3A_182 = arith.index_cast %swap3A_181 : i32 to index
    %swap3A_183 = arith.constant 96 : index
    %swap3A_184 = tpu.vector_load %arg6[%swap3A_182, %swap3A_183] {strides = array<i32>} : memref<8x128xf32, #tpu.memory_space<vmem>>, vector<1x16xf32>,
    %swap3A_185 = vector.shape_cast %swap3A_184 : vector<1x16xf32> to vector<16xf32>
    %swap3A_186 = vector.shape_cast %broadcast_in_dim3A_180 : vector<16xf32> to vector<1x16xf32>
    tpu.vector_store %arg6[%swap3A_182, %swap3A_183], %swap3A_186 {strides = array<i32>} : memref<8x128xf32, #tpu.memory_space<vmem>>, vector<1x16xf32>,
    %broadcast_in_dim3A_187 = arith.constant 0.000000e+00 : f32
    %broadcast_in_dim3A_188 = vector.broadcast %broadcast_in_dim3A_187 : f32 to vector<16xf32>
    %swap3A_189 = arith.constant 2 : i32
    %swap3A_190 = arith.index_cast %swap3A_189 : i32 to index
    %swap3A_191 = arith.constant 112 : index
    %swap3A_192 = tpu.vector_load %arg6[%swap3A_190, %swap3A_191] {strides = array<i32>} : memref<8x128xf32, #tpu.memory_space<vmem>>, vector<1x16xf32>,
    %swap3A_193 = vector.shape_cast %swap3A_192 : vector<1x16xf32> to vector<16xf32>
    %swap3A_194 = vector.shape_cast %broadcast_in_dim3A_188 : vector<16xf32> to vector<1x16xf32>
    tpu.vector_store %arg6[%swap3A_190, %swap3A_191], %swap3A_194 {strides = array<i32>} : memref<8x128xf32, #tpu.memory_space<vmem>>, vector<1x16xf32>,
    %broadcast_in_dim3A_195 = arith.constant 0.000000e+00 : f32
    %broadcast_in_dim3A_196 = vector.broadcast %broadcast_in_dim3A_195 : f32 to vector<16xf32>
    %swap3A_197 = arith.constant 3 : i32
    %swap3A_198 = arith.index_cast %swap3A_197 : i32 to index
    %swap3A_199 = arith.constant 0 : index
    %swap3A_200 = tpu.vector_load %arg6[%swap3A_198, %swap3A_199] {strides = array<i32>} : memref<8x128xf32, #tpu.memory_space<vmem>>, vector<1x16xf32>,
    %swap3A_201 = vector.shape_cast %swap3A_200 : vector<1x16xf32> to vector<16xf32>
    %swap3A_202 = vector.shape_cast %broadcast_in_dim3A_196 : vector<16xf32> to vector<1x16xf32>
    tpu.vector_store %arg6[%swap3A_198, %swap3A_199], %swap3A_202 {strides = array<i32>} : memref<8x128xf32, #tpu.memory_space<vmem>>, vector<1x16xf32>,
    %broadcast_in_dim3A_203 = arith.constant 0.000000e+00 : f32
    %broadcast_in_dim3A_204 = vector.broadcast %broadcast_in_dim3A_203 : f32 to vector<16xf32>
    %swap3A_205 = arith.constant 3 : i32
    %swap3A_206 = arith.index_cast %swap3A_205 : i32 to index
    %swap3A_207 = arith.constant 16 : index
    %swap3A_208 = tpu.vector_load %arg6[%swap3A_206, %swap3A_207] {strides = array<i32>} : memref<8x128xf32, #tpu.memory_space<vmem>>, vector<1x16xf32>,
    %swap3A_209 = vector.shape_cast %swap3A_208 : vector<1x16xf32> to vector<16xf32>
    %swap3A_210 = vector.shape_cast %broadcast_in_dim3A_204 : vector<16xf32> to vector<1x16xf32>
    tpu.vector_store %arg6[%swap3A_206, %swap3A_207], %swap3A_210 {strides = array<i32>} : memref<8x128xf32, #tpu.memory_space<vmem>>, vector<1x16xf32>,
    %broadcast_in_dim3A_211 = arith.constant 0.000000e+00 : f32
    %broadcast_in_dim3A_212 = vector.broadcast %broadcast_in_dim3A_211 : f32 to vector<16xf32>
    %swap3A_213 = arith.constant 3 : i32
    %swap3A_214 = arith.index_cast %swap3A_213 : i32 to index
    %swap3A_215 = arith.constant 32 : index
    %swap3A_216 = tpu.vector_load %arg6[%swap3A_214, %swap3A_215] {strides = array<i32>} : memref<8x128xf32, #tpu.memory_space<vmem>>, vector<1x16xf32>,
    %swap3A_217 = vector.shape_cast %swap3A_216 : vector<1x16xf32> to vector<16xf32>
    %swap3A_218 = vector.shape_cast %broadcast_in_dim3A_212 : vector<16xf32> to vector<1x16xf32>
    tpu.vector_store %arg6[%swap3A_214, %swap3A_215], %swap3A_218 {strides = array<i32>} : memref<8x128xf32, #tpu.memory_space<vmem>>, vector<1x16xf32>,
    %broadcast_in_dim3A_219 = arith.constant 0.000000e+00 : f32
    %broadcast_in_dim3A_220 = vector.broadcast %broadcast_in_dim3A_219 : f32 to vector<16xf32>
    %swap3A_221 = arith.constant 3 : i32
    %swap3A_222 = arith.index_cast %swap3A_221 : i32 to index
    %swap3A_223 = arith.constant 48 : index
    %swap3A_224 = tpu.vector_load %arg6[%swap3A_222, %swap3A_223] {strides = array<i32>} : memref<8x128xf32, #tpu.memory_space<vmem>>, vector<1x16xf32>,
    %swap3A_225 = vector.shape_cast %swap3A_224 : vector<1x16xf32> to vector<16xf32>
    %swap3A_226 = vector.shape_cast %broadcast_in_dim3A_220 : vector<16xf32> to vector<1x16xf32>
    tpu.vector_store %arg6[%swap3A_222, %swap3A_223], %swap3A_226 {strides = array<i32>} : memref<8x128xf32, #tpu.memory_space<vmem>>, vector<1x16xf32>,
    %broadcast_in_dim3A_227 = arith.constant 0.000000e+00 : f32
    %broadcast_in_dim3A_228 = vector.broadcast %broadcast_in_dim3A_227 : f32 to vector<16xf32>
    %swap3A_229 = arith.constant 3 : i32
    %swap3A_230 = arith.index_cast %swap3A_229 : i32 to index
    %swap3A_231 = arith.constant 64 : index
    %swap3A_232 = tpu.vector_load %arg6[%swap3A_230, %swap3A_231] {strides = array<i32>} : memref<8x128xf32, #tpu.memory_space<vmem>>, vector<1x16xf32>,
    %swap3A_233 = vector.shape_cast %swap3A_232 : vector<1x16xf32> to vector<16xf32>
    %swap3A_234 = vector.shape_cast %broadcast_in_dim3A_228 : vector<16xf32> to vector<1x16xf32>
    tpu.vector_store %arg6[%swap3A_230, %swap3A_231], %swap3A_234 {strides = array<i32>} : memref<8x128xf32, #tpu.memory_space<vmem>>, vector<1x16xf32>,
    %broadcast_in_dim3A_235 = arith.constant 0.000000e+00 : f32
    %broadcast_in_dim3A_236 = vector.broadcast %broadcast_in_dim3A_235 : f32 to vector<16xf32>
    %swap3A_237 = arith.constant 3 : i32
    %swap3A_238 = arith.index_cast %swap3A_237 : i32 to index
    %swap3A_239 = arith.constant 80 : index
    %swap3A_240 = tpu.vector_load %arg6[%swap3A_238, %swap3A_239] {strides = array<i32>} : memref<8x128xf32, #tpu.memory_space<vmem>>, vector<1x16xf32>,
    %swap3A_241 = vector.shape_cast %swap3A_240 : vector<1x16xf32> to vector<16xf32>
    %swap3A_242 = vector.shape_cast %broadcast_in_dim3A_236 : vector<16xf32> to vector<1x16xf32>
    tpu.vector_store %arg6[%swap3A_238, %swap3A_239], %swap3A_242 {strides = array<i32>} : memref<8x128xf32, #tpu.memory_space<vmem>>, vector<1x16xf32>,
    %broadcast_in_dim3A_243 = arith.constant 0.000000e+00 : f32
    %broadcast_in_dim3A_244 = vector.broadcast %broadcast_in_dim3A_243 : f32 to vector<16xf32>
    %swap3A_245 = arith.constant 3 : i32
    %swap3A_246 = arith.index_cast %swap3A_245 : i32 to index
    %swap3A_247 = arith.constant 96 : index
    %swap3A_248 = tpu.vector_load %arg6[%swap3A_246, %swap3A_247] {strides = array<i32>} : memref<8x128xf32, #tpu.memory_space<vmem>>, vector<1x16xf32>,
    %swap3A_249 = vector.shape_cast %swap3A_248 : vector<1x16xf32> to vector<16xf32>
    %swap3A_250 = vector.shape_cast %broadcast_in_dim3A_244 : vector<16xf32> to vector<1x16xf32>
    tpu.vector_store %arg6[%swap3A_246, %swap3A_247], %swap3A_250 {strides = array<i32>} : memref<8x128xf32, #tpu.memory_space<vmem>>, vector<1x16xf32>,
    %broadcast_in_dim3A_251 = arith.constant 0.000000e+00 : f32
    %broadcast_in_dim3A_252 = vector.broadcast %broadcast_in_dim3A_251 : f32 to vector<16xf32>
    %swap3A_253 = arith.constant 3 : i32
    %swap3A_254 = arith.index_cast %swap3A_253 : i32 to index
    %swap3A_255 = arith.constant 112 : index
    %swap3A_256 = tpu.vector_load %arg6[%swap3A_254, %swap3A_255] {strides = array<i32>} : memref<8x128xf32, #tpu.memory_space<vmem>>, vector<1x16xf32>,
    %swap3A_257 = vector.shape_cast %swap3A_256 : vector<1x16xf32> to vector<16xf32>
    %swap3A_258 = vector.shape_cast %broadcast_in_dim3A_252 : vector<16xf32> to vector<1x16xf32>
    tpu.vector_store %arg6[%swap3A_254, %swap3A_255], %swap3A_258 {strides = array<i32>} : memref<8x128xf32, #tpu.memory_space<vmem>>, vector<1x16xf32>,
    %broadcast_in_dim3A_259 = arith.constant 0.000000e+00 : f32
    %broadcast_in_dim3A_260 = vector.broadcast %broadcast_in_dim3A_259 : f32 to vector<16xf32>
    %swap3A_261 = arith.constant 4 : i32
    %swap3A_262 = arith.index_cast %swap3A_261 : i32 to index
    %swap3A_263 = arith.constant 0 : index
    %swap3A_264 = tpu.vector_load %arg6[%swap3A_262, %swap3A_263] {strides = array<i32>} : memref<8x128xf32, #tpu.memory_space<vmem>>, vector<1x16xf32>,
    %swap3A_265 = vector.shape_cast %swap3A_264 : vector<1x16xf32> to vector<16xf32>
    %swap3A_266 = vector.shape_cast %broadcast_in_dim3A_260 : vector<16xf32> to vector<1x16xf32>
    tpu.vector_store %arg6[%swap3A_262, %swap3A_263], %swap3A_266 {strides = array<i32>} : memref<8x128xf32, #tpu.memory_space<vmem>>, vector<1x16xf32>,
    %broadcast_in_dim3A_267 = arith.constant 0.000000e+00 : f32
    %broadcast_in_dim3A_268 = vector.broadcast %broadcast_in_dim3A_267 : f32 to vector<16xf32>
    %swap3A_269 = arith.constant 4 : i32
    %swap3A_270 = arith.index_cast %swap3A_269 : i32 to index
    %swap3A_271 = arith.constant 16 : index
    %swap3A_272 = tpu.vector_load %arg6[%swap3A_270, %swap3A_271] {strides = array<i32>} : memref<8x128xf32, #tpu.memory_space<vmem>>, vector<1x16xf32>,
    %swap3A_273 = vector.shape_cast %swap3A_272 : vector<1x16xf32> to vector<16xf32>
    %swap3A_274 = vector.shape_cast %broadcast_in_dim3A_268 : vector<16xf32> to vector<1x16xf32>
    tpu.vector_store %arg6[%swap3A_270, %swap3A_271], %swap3A_274 {strides = array<i32>} : memref<8x128xf32, #tpu.memory_space<vmem>>, vector<1x16xf32>,
    %broadcast_in_dim3A_275 = arith.constant 0.000000e+00 : f32
    %broadcast_in_dim3A_276 = vector.broadcast %broadcast_in_dim3A_275 : f32 to vector<16xf32>
    %swap3A_277 = arith.constant 4 : i32
    %swap3A_278 = arith.index_cast %swap3A_277 : i32 to index
    %swap3A_279 = arith.constant 32 : index
    %swap3A_280 = tpu.vector_load %arg6[%swap3A_278, %swap3A_279] {strides = array<i32>} : memref<8x128xf32, #tpu.memory_space<vmem>>, vector<1x16xf32>,
    %swap3A_281 = vector.shape_cast %swap3A_280 : vector<1x16xf32> to vector<16xf32>
    %swap3A_282 = vector.shape_cast %broadcast_in_dim3A_276 : vector<16xf32> to vector<1x16xf32>
    tpu.vector_store %arg6[%swap3A_278, %swap3A_279], %swap3A_282 {strides = array<i32>} : memref<8x128xf32, #tpu.memory_space<vmem>>, vector<1x16xf32>,
    %broadcast_in_dim3A_283 = arith.constant 0.000000e+00 : f32
    %broadcast_in_dim3A_284 = vector.broadcast %broadcast_in_dim3A_283 : f32 to vector<16xf32>
    %swap3A_285 = arith.constant 4 : i32
    %swap3A_286 = arith.index_cast %swap3A_285 : i32 to index
    %swap3A_287 = arith.constant 48 : index
    %swap3A_288 = tpu.vector_load %arg6[%swap3A_286, %swap3A_287] {strides = array<i32>} : memref<8x128xf32, #tpu.memory_space<vmem>>, vector<1x16xf32>,
    %swap3A_289 = vector.shape_cast %swap3A_288 : vector<1x16xf32> to vector<16xf32>
    %swap3A_290 = vector.shape_cast %broadcast_in_dim3A_284 : vector<16xf32> to vector<1x16xf32>
    tpu.vector_store %arg6[%swap3A_286, %swap3A_287], %swap3A_290 {strides = array<i32>} : memref<8x128xf32, #tpu.memory_space<vmem>>, vector<1x16xf32>,
    %broadcast_in_dim3A_291 = arith.constant 0.000000e+00 : f32
    %broadcast_in_dim3A_292 = vector.broadcast %broadcast_in_dim3A_291 : f32 to vector<16xf32>
    %swap3A_293 = arith.constant 4 : i32
    %swap3A_294 = arith.index_cast %swap3A_293 : i32 to index
    %swap3A_295 = arith.constant 64 : index
    %swap3A_296 = tpu.vector_load %arg6[%swap3A_294, %swap3A_295] {strides = array<i32>} : memref<8x128xf32, #tpu.memory_space<vmem>>, vector<1x16xf32>,
    %swap3A_297 = vector.shape_cast %swap3A_296 : vector<1x16xf32> to vector<16xf32>
    %swap3A_298 = vector.shape_cast %broadcast_in_dim3A_292 : vector<16xf32> to vector<1x16xf32>
    tpu.vector_store %arg6[%swap3A_294, %swap3A_295], %swap3A_298 {strides = array<i32>} : memref<8x128xf32, #tpu.memory_space<vmem>>, vector<1x16xf32>,
    %broadcast_in_dim3A_299 = arith.constant 0.000000e+00 : f32
    %broadcast_in_dim3A_300 = vector.broadcast %broadcast_in_dim3A_299 : f32 to vector<16xf32>
    %swap3A_301 = arith.constant 4 : i32
    %swap3A_302 = arith.index_cast %swap3A_301 : i32 to index
    %swap3A_303 = arith.constant 80 : index
    %swap3A_304 = tpu.vector_load %arg6[%swap3A_302, %swap3A_303] {strides = array<i32>} : memref<8x128xf32, #tpu.memory_space<vmem>>, vector<1x16xf32>,
    %swap3A_305 = vector.shape_cast %swap3A_304 : vector<1x16xf32> to vector<16xf32>
    %swap3A_306 = vector.shape_cast %broadcast_in_dim3A_300 : vector<16xf32> to vector<1x16xf32>
    tpu.vector_store %arg6[%swap3A_302, %swap3A_303], %swap3A_306 {strides = array<i32>} : memref<8x128xf32, #tpu.memory_space<vmem>>, vector<1x16xf32>,
    %broadcast_in_dim3A_307 = arith.constant 0.000000e+00 : f32
    %broadcast_in_dim3A_308 = vector.broadcast %broadcast_in_dim3A_307 : f32 to vector<16xf32>
    %swap3A_309 = arith.constant 4 : i32
    %swap3A_310 = arith.index_cast %swap3A_309 : i32 to index
    %swap3A_311 = arith.constant 96 : index
    %swap3A_312 = tpu.vector_load %arg6[%swap3A_310, %swap3A_311] {strides = array<i32>} : memref<8x128xf32, #tpu.memory_space<vmem>>, vector<1x16xf32>,
    %swap3A_313 = vector.shape_cast %swap3A_312 : vector<1x16xf32> to vector<16xf32>
    %swap3A_314 = vector.shape_cast %broadcast_in_dim3A_308 : vector<16xf32> to vector<1x16xf32>
    tpu.vector_store %arg6[%swap3A_310, %swap3A_311], %swap3A_314 {strides = array<i32>} : memref<8x128xf32, #tpu.memory_space<vmem>>, vector<1x16xf32>,
    %broadcast_in_dim3A_315 = arith.constant 0.000000e+00 : f32
    %broadcast_in_dim3A_316 = vector.broadcast %broadcast_in_dim3A_315 : f32 to vector<16xf32>
    %swap3A_317 = arith.constant 4 : i32
    %swap3A_318 = arith.index_cast %swap3A_317 : i32 to index
    %swap3A_319 = arith.constant 112 : index
    %swap3A_320 = tpu.vector_load %arg6[%swap3A_318, %swap3A_319] {strides = array<i32>} : memref<8x128xf32, #tpu.memory_space<vmem>>, vector<1x16xf32>,
    %swap3A_321 = vector.shape_cast %swap3A_320 : vector<1x16xf32> to vector<16xf32>
    %swap3A_322 = vector.shape_cast %broadcast_in_dim3A_316 : vector<16xf32> to vector<1x16xf32>
    tpu.vector_store %arg6[%swap3A_318, %swap3A_319], %swap3A_322 {strides = array<i32>} : memref<8x128xf32, #tpu.memory_space<vmem>>, vector<1x16xf32>,
    %broadcast_in_dim3A_323 = arith.constant 0.000000e+00 : f32
    %broadcast_in_dim3A_324 = vector.broadcast %broadcast_in_dim3A_323 : f32 to vector<16xf32>
    %swap3A_325 = arith.constant 5 : i32
    %swap3A_326 = arith.index_cast %swap3A_325 : i32 to index
    %swap3A_327 = arith.constant 0 : index
    %swap3A_328 = tpu.vector_load %arg6[%swap3A_326, %swap3A_327] {strides = array<i32>} : memref<8x128xf32, #tpu.memory_space<vmem>>, vector<1x16xf32>,
    %swap3A_329 = vector.shape_cast %swap3A_328 : vector<1x16xf32> to vector<16xf32>
    %swap3A_330 = vector.shape_cast %broadcast_in_dim3A_324 : vector<16xf32> to vector<1x16xf32>
    tpu.vector_store %arg6[%swap3A_326, %swap3A_327], %swap3A_330 {strides = array<i32>} : memref<8x128xf32, #tpu.memory_space<vmem>>, vector<1x16xf32>,
    %broadcast_in_dim3A_331 = arith.constant 0.000000e+00 : f32
    %broadcast_in_dim3A_332 = vector.broadcast %broadcast_in_dim3A_331 : f32 to vector<16xf32>
    %swap3A_333 = arith.constant 5 : i32
    %swap3A_334 = arith.index_cast %swap3A_333 : i32 to index
    %swap3A_335 = arith.constant 16 : index
    %swap3A_336 = tpu.vector_load %arg6[%swap3A_334, %swap3A_335] {strides = array<i32>} : memref<8x128xf32, #tpu.memory_space<vmem>>, vector<1x16xf32>,
    %swap3A_337 = vector.shape_cast %swap3A_336 : vector<1x16xf32> to vector<16xf32>
    %swap3A_338 = vector.shape_cast %broadcast_in_dim3A_332 : vector<16xf32> to vector<1x16xf32>
    tpu.vector_store %arg6[%swap3A_334, %swap3A_335], %swap3A_338 {strides = array<i32>} : memref<8x128xf32, #tpu.memory_space<vmem>>, vector<1x16xf32>,
    %broadcast_in_dim3A_339 = arith.constant 0.000000e+00 : f32
    %broadcast_in_dim3A_340 = vector.broadcast %broadcast_in_dim3A_339 : f32 to vector<16xf32>
    %swap3A_341 = arith.constant 5 : i32
    %swap3A_342 = arith.index_cast %swap3A_341 : i32 to index
    %swap3A_343 = arith.constant 32 : index
    %swap3A_344 = tpu.vector_load %arg6[%swap3A_342, %swap3A_343] {strides = array<i32>} : memref<8x128xf32, #tpu.memory_space<vmem>>, vector<1x16xf32>,
    %swap3A_345 = vector.shape_cast %swap3A_344 : vector<1x16xf32> to vector<16xf32>
    %swap3A_346 = vector.shape_cast %broadcast_in_dim3A_340 : vector<16xf32> to vector<1x16xf32>
    tpu.vector_store %arg6[%swap3A_342, %swap3A_343], %swap3A_346 {strides = array<i32>} : memref<8x128xf32, #tpu.memory_space<vmem>>, vector<1x16xf32>,
    %broadcast_in_dim3A_347 = arith.constant 0.000000e+00 : f32
    %broadcast_in_dim3A_348 = vector.broadcast %broadcast_in_dim3A_347 : f32 to vector<16xf32>
    %swap3A_349 = arith.constant 5 : i32
    %swap3A_350 = arith.index_cast %swap3A_349 : i32 to index
    %swap3A_351 = arith.constant 48 : index
    %swap3A_352 = tpu.vector_load %arg6[%swap3A_350, %swap3A_351] {strides = array<i32>} : memref<8x128xf32, #tpu.memory_space<vmem>>, vector<1x16xf32>,
    %swap3A_353 = vector.shape_cast %swap3A_352 : vector<1x16xf32> to vector<16xf32>
    %swap3A_354 = vector.shape_cast %broadcast_in_dim3A_348 : vector<16xf32> to vector<1x16xf32>
    tpu.vector_store %arg6[%swap3A_350, %swap3A_351], %swap3A_354 {strides = array<i32>} : memref<8x128xf32, #tpu.memory_space<vmem>>, vector<1x16xf32>,
    %broadcast_in_dim3A_355 = arith.constant 0.000000e+00 : f32
    %broadcast_in_dim3A_356 = vector.broadcast %broadcast_in_dim3A_355 : f32 to vector<16xf32>
    %swap3A_357 = arith.constant 5 : i32
    %swap3A_358 = arith.index_cast %swap3A_357 : i32 to index
    %swap3A_359 = arith.constant 64 : index
    %swap3A_360 = tpu.vector_load %arg6[%swap3A_358, %swap3A_359] {strides = array<i32>} : memref<8x128xf32, #tpu.memory_space<vmem>>, vector<1x16xf32>,
    %swap3A_361 = vector.shape_cast %swap3A_360 : vector<1x16xf32> to vector<16xf32>
    %swap3A_362 = vector.shape_cast %broadcast_in_dim3A_356 : vector<16xf32> to vector<1x16xf32>
    tpu.vector_store %arg6[%swap3A_358, %swap3A_359], %swap3A_362 {strides = array<i32>} : memref<8x128xf32, #tpu.memory_space<vmem>>, vector<1x16xf32>,
    %broadcast_in_dim3A_363 = arith.constant 0.000000e+00 : f32
    %broadcast_in_dim3A_364 = vector.broadcast %broadcast_in_dim3A_363 : f32 to vector<16xf32>
    %swap3A_365 = arith.constant 5 : i32
    %swap3A_366 = arith.index_cast %swap3A_365 : i32 to index
    %swap3A_367 = arith.constant 80 : index
    %swap3A_368 = tpu.vector_load %arg6[%swap3A_366, %swap3A_367] {strides = array<i32>} : memref<8x128xf32, #tpu.memory_space<vmem>>, vector<1x16xf32>,
    %swap3A_369 = vector.shape_cast %swap3A_368 : vector<1x16xf32> to vector<16xf32>
    %swap3A_370 = vector.shape_cast %broadcast_in_dim3A_364 : vector<16xf32> to vector<1x16xf32>
    tpu.vector_store %arg6[%swap3A_366, %swap3A_367], %swap3A_370 {strides = array<i32>} : memref<8x128xf32, #tpu.memory_space<vmem>>, vector<1x16xf32>,
    %broadcast_in_dim3A_371 = arith.constant 0.000000e+00 : f32
    %broadcast_in_dim3A_372 = vector.broadcast %broadcast_in_dim3A_371 : f32 to vector<16xf32>
    %swap3A_373 = arith.constant 5 : i32
    %swap3A_374 = arith.index_cast %swap3A_373 : i32 to index
    %swap3A_375 = arith.constant 96 : index
    %swap3A_376 = tpu.vector_load %arg6[%swap3A_374, %swap3A_375] {strides = array<i32>} : memref<8x128xf32, #tpu.memory_space<vmem>>, vector<1x16xf32>,
    %swap3A_377 = vector.shape_cast %swap3A_376 : vector<1x16xf32> to vector<16xf32>
    %swap3A_378 = vector.shape_cast %broadcast_in_dim3A_372 : vector<16xf32> to vector<1x16xf32>
    tpu.vector_store %arg6[%swap3A_374, %swap3A_375], %swap3A_378 {strides = array<i32>} : memref<8x128xf32, #tpu.memory_space<vmem>>, vector<1x16xf32>,
    %broadcast_in_dim3A_379 = arith.constant 0.000000e+00 : f32
    %broadcast_in_dim3A_380 = vector.broadcast %broadcast_in_dim3A_379 : f32 to vector<16xf32>
    %swap3A_381 = arith.constant 5 : i32
    %swap3A_382 = arith.index_cast %swap3A_381 : i32 to index
    %swap3A_383 = arith.constant 112 : index
    %swap3A_384 = tpu.vector_load %arg6[%swap3A_382, %swap3A_383] {strides = array<i32>} : memref<8x128xf32, #tpu.memory_space<vmem>>, vector<1x16xf32>,
    %swap3A_385 = vector.shape_cast %swap3A_384 : vector<1x16xf32> to vector<16xf32>
    %swap3A_386 = vector.shape_cast %broadcast_in_dim3A_380 : vector<16xf32> to vector<1x16xf32>
    tpu.vector_store %arg6[%swap3A_382, %swap3A_383], %swap3A_386 {strides = array<i32>} : memref<8x128xf32, #tpu.memory_space<vmem>>, vector<1x16xf32>,
    %broadcast_in_dim3A_387 = arith.constant 0.000000e+00 : f32
    %broadcast_in_dim3A_388 = vector.broadcast %broadcast_in_dim3A_387 : f32 to vector<16xf32>
    %swap3A_389 = arith.constant 6 : i32
    %swap3A_390 = arith.index_cast %swap3A_389 : i32 to index
    %swap3A_391 = arith.constant 0 : index
    %swap3A_392 = tpu.vector_load %arg6[%swap3A_390, %swap3A_391] {strides = array<i32>} : memref<8x128xf32, #tpu.memory_space<vmem>>, vector<1x16xf32>,
    %swap3A_393 = vector.shape_cast %swap3A_392 : vector<1x16xf32> to vector<16xf32>
    %swap3A_394 = vector.shape_cast %broadcast_in_dim3A_388 : vector<16xf32> to vector<1x16xf32>
    tpu.vector_store %arg6[%swap3A_390, %swap3A_391], %swap3A_394 {strides = array<i32>} : memref<8x128xf32, #tpu.memory_space<vmem>>, vector<1x16xf32>,
    %broadcast_in_dim3A_395 = arith.constant 0.000000e+00 : f32
    %broadcast_in_dim3A_396 = vector.broadcast %broadcast_in_dim3A_395 : f32 to vector<16xf32>
    %swap3A_397 = arith.constant 6 : i32
    %swap3A_398 = arith.index_cast %swap3A_397 : i32 to index
    %swap3A_399 = arith.constant 16 : index
    %swap3A_400 = tpu.vector_load %arg6[%swap3A_398, %swap3A_399] {strides = array<i32>} : memref<8x128xf32, #tpu.memory_space<vmem>>, vector<1x16xf32>,
    %swap3A_401 = vector.shape_cast %swap3A_400 : vector<1x16xf32> to vector<16xf32>
    %swap3A_402 = vector.shape_cast %broadcast_in_dim3A_396 : vector<16xf32> to vector<1x16xf32>
    tpu.vector_store %arg6[%swap3A_398, %swap3A_399], %swap3A_402 {strides = array<i32>} : memref<8x128xf32, #tpu.memory_space<vmem>>, vector<1x16xf32>,
    %broadcast_in_dim3A_403 = arith.constant 0.000000e+00 : f32
    %broadcast_in_dim3A_404 = vector.broadcast %broadcast_in_dim3A_403 : f32 to vector<16xf32>
    %swap3A_405 = arith.constant 6 : i32
    %swap3A_406 = arith.index_cast %swap3A_405 : i32 to index
    %swap3A_407 = arith.constant 32 : index
    %swap3A_408 = tpu.vector_load %arg6[%swap3A_406, %swap3A_407] {strides = array<i32>} : memref<8x128xf32, #tpu.memory_space<vmem>>, vector<1x16xf32>,
    %swap3A_409 = vector.shape_cast %swap3A_408 : vector<1x16xf32> to vector<16xf32>
    %swap3A_410 = vector.shape_cast %broadcast_in_dim3A_404 : vector<16xf32> to vector<1x16xf32>
    tpu.vector_store %arg6[%swap3A_406, %swap3A_407], %swap3A_410 {strides = array<i32>} : memref<8x128xf32, #tpu.memory_space<vmem>>, vector<1x16xf32>,
    %broadcast_in_dim3A_411 = arith.constant 0.000000e+00 : f32
    %broadcast_in_dim3A_412 = vector.broadcast %broadcast_in_dim3A_411 : f32 to vector<16xf32>
    %swap3A_413 = arith.constant 6 : i32
    %swap3A_414 = arith.index_cast %swap3A_413 : i32 to index
    %swap3A_415 = arith.constant 48 : index
    %swap3A_416 = tpu.vector_load %arg6[%swap3A_414, %swap3A_415] {strides = array<i32>} : memref<8x128xf32, #tpu.memory_space<vmem>>, vector<1x16xf32>,
    %swap3A_417 = vector.shape_cast %swap3A_416 : vector<1x16xf32> to vector<16xf32>
    %swap3A_418 = vector.shape_cast %broadcast_in_dim3A_412 : vector<16xf32> to vector<1x16xf32>
    tpu.vector_store %arg6[%swap3A_414, %swap3A_415], %swap3A_418 {strides = array<i32>} : memref<8x128xf32, #tpu.memory_space<vmem>>, vector<1x16xf32>,
    %broadcast_in_dim3A_419 = arith.constant 0.000000e+00 : f32
    %broadcast_in_dim3A_420 = vector.broadcast %broadcast_in_dim3A_419 : f32 to vector<16xf32>
    %swap3A_421 = arith.constant 6 : i32
    %swap3A_422 = arith.index_cast %swap3A_421 : i32 to index
    %swap3A_423 = arith.constant 64 : index
    %swap3A_424 = tpu.vector_load %arg6[%swap3A_422, %swap3A_423] {strides = array<i32>} : memref<8x128xf32, #tpu.memory_space<vmem>>, vector<1x16xf32>,
    %swap3A_425 = vector.shape_cast %swap3A_424 : vector<1x16xf32> to vector<16xf32>
    %swap3A_426 = vector.shape_cast %broadcast_in_dim3A_420 : vector<16xf32> to vector<1x16xf32>
    tpu.vector_store %arg6[%swap3A_422, %swap3A_423], %swap3A_426 {strides = array<i32>} : memref<8x128xf32, #tpu.memory_space<vmem>>, vector<1x16xf32>,
    %broadcast_in_dim3A_427 = arith.constant 0.000000e+00 : f32
    %broadcast_in_dim3A_428 = vector.broadcast %broadcast_in_dim3A_427 : f32 to vector<16xf32>
    %swap3A_429 = arith.constant 6 : i32
    %swap3A_430 = arith.index_cast %swap3A_429 : i32 to index
    %swap3A_431 = arith.constant 80 : index
    %swap3A_432 = tpu.vector_load %arg6[%swap3A_430, %swap3A_431] {strides = array<i32>} : memref<8x128xf32, #tpu.memory_space<vmem>>, vector<1x16xf32>,
    %swap3A_433 = vector.shape_cast %swap3A_432 : vector<1x16xf32> to vector<16xf32>
    %swap3A_434 = vector.shape_cast %broadcast_in_dim3A_428 : vector<16xf32> to vector<1x16xf32>
    tpu.vector_store %arg6[%swap3A_430, %swap3A_431], %swap3A_434 {strides = array<i32>} : memref<8x128xf32, #tpu.memory_space<vmem>>, vector<1x16xf32>,
    %broadcast_in_dim3A_435 = arith.constant 0.000000e+00 : f32
    %broadcast_in_dim3A_436 = vector.broadcast %broadcast_in_dim3A_435 : f32 to vector<16xf32>
    %swap3A_437 = arith.constant 6 : i32
    %swap3A_438 = arith.index_cast %swap3A_437 : i32 to index
    %swap3A_439 = arith.constant 96 : index
    %swap3A_440 = tpu.vector_load %arg6[%swap3A_438, %swap3A_439] {strides = array<i32>} : memref<8x128xf32, #tpu.memory_space<vmem>>, vector<1x16xf32>,
    %swap3A_441 = vector.shape_cast %swap3A_440 : vector<1x16xf32> to vector<16xf32>
    %swap3A_442 = vector.shape_cast %broadcast_in_dim3A_436 : vector<16xf32> to vector<1x16xf32>
    tpu.vector_store %arg6[%swap3A_438, %swap3A_439], %swap3A_442 {strides = array<i32>} : memref<8x128xf32, #tpu.memory_space<vmem>>, vector<1x16xf32>,
    %broadcast_in_dim3A_443 = arith.constant 0.000000e+00 : f32
    %broadcast_in_dim3A_444 = vector.broadcast %broadcast_in_dim3A_443 : f32 to vector<16xf32>
    %swap3A_445 = arith.constant 6 : i32
    %swap3A_446 = arith.index_cast %swap3A_445 : i32 to index
    %swap3A_447 = arith.constant 112 : index
    %swap3A_448 = tpu.vector_load %arg6[%swap3A_446, %swap3A_447] {strides = array<i32>} : memref<8x128xf32, #tpu.memory_space<vmem>>, vector<1x16xf32>,
    %swap3A_449 = vector.shape_cast %swap3A_448 : vector<1x16xf32> to vector<16xf32>
    %swap3A_450 = vector.shape_cast %broadcast_in_dim3A_444 : vector<16xf32> to vector<1x16xf32>
    tpu.vector_store %arg6[%swap3A_446, %swap3A_447], %swap3A_450 {strides = array<i32>} : memref<8x128xf32, #tpu.memory_space<vmem>>, vector<1x16xf32>,
    %broadcast_in_dim3A_451 = arith.constant 0.000000e+00 : f32
    %broadcast_in_dim3A_452 = vector.broadcast %broadcast_in_dim3A_451 : f32 to vector<16xf32>
    %swap3A_453 = arith.constant 7 : i32
    %swap3A_454 = arith.index_cast %swap3A_453 : i32 to index
    %swap3A_455 = arith.constant 0 : index
    %swap3A_456 = tpu.vector_load %arg6[%swap3A_454, %swap3A_455] {strides = array<i32>} : memref<8x128xf32, #tpu.memory_space<vmem>>, vector<1x16xf32>,
    %swap3A_457 = vector.shape_cast %swap3A_456 : vector<1x16xf32> to vector<16xf32>
    %swap3A_458 = vector.shape_cast %broadcast_in_dim3A_452 : vector<16xf32> to vector<1x16xf32>
    tpu.vector_store %arg6[%swap3A_454, %swap3A_455], %swap3A_458 {strides = array<i32>} : memref<8x128xf32, #tpu.memory_space<vmem>>, vector<1x16xf32>,
    %broadcast_in_dim3A_459 = arith.constant 0.000000e+00 : f32
    %broadcast_in_dim3A_460 = vector.broadcast %broadcast_in_dim3A_459 : f32 to vector<16xf32>
    %swap3A_461 = arith.constant 7 : i32
    %swap3A_462 = arith.index_cast %swap3A_461 : i32 to index
    %swap3A_463 = arith.constant 16 : index
    %swap3A_464 = tpu.vector_load %arg6[%swap3A_462, %swap3A_463] {strides = array<i32>} : memref<8x128xf32, #tpu.memory_space<vmem>>, vector<1x16xf32>,
    %swap3A_465 = vector.shape_cast %swap3A_464 : vector<1x16xf32> to vector<16xf32>
    %swap3A_466 = vector.shape_cast %broadcast_in_dim3A_460 : vector<16xf32> to vector<1x16xf32>
    tpu.vector_store %arg6[%swap3A_462, %swap3A_463], %swap3A_466 {strides = array<i32>} : memref<8x128xf32, #tpu.memory_space<vmem>>, vector<1x16xf32>,
    %broadcast_in_dim3A_467 = arith.constant 0.000000e+00 : f32
    %broadcast_in_dim3A_468 = vector.broadcast %broadcast_in_dim3A_467 : f32 to vector<16xf32>
    %swap3A_469 = arith.constant 7 : i32
    %swap3A_470 = arith.index_cast %swap3A_469 : i32 to index
    %swap3A_471 = arith.constant 32 : index
    %swap3A_472 = tpu.vector_load %arg6[%swap3A_470, %swap3A_471] {strides = array<i32>} : memref<8x128xf32, #tpu.memory_space<vmem>>, vector<1x16xf32>,
    %swap3A_473 = vector.shape_cast %swap3A_472 : vector<1x16xf32> to vector<16xf32>
    %swap3A_474 = vector.shape_cast %broadcast_in_dim3A_468 : vector<16xf32> to vector<1x16xf32>
    tpu.vector_store %arg6[%swap3A_470, %swap3A_471], %swap3A_474 {strides = array<i32>} : memref<8x128xf32, #tpu.memory_space<vmem>>, vector<1x16xf32>,
    %broadcast_in_dim3A_475 = arith.constant 0.000000e+00 : f32
    %broadcast_in_dim3A_476 = vector.broadcast %broadcast_in_dim3A_475 : f32 to vector<16xf32>
    %swap3A_477 = arith.constant 7 : i32
    %swap3A_478 = arith.index_cast %swap3A_477 : i32 to index
    %swap3A_479 = arith.constant 48 : index
    %swap3A_480 = tpu.vector_load %arg6[%swap3A_478, %swap3A_479] {strides = array<i32>} : memref<8x128xf32, #tpu.memory_space<vmem>>, vector<1x16xf32>,
    %swap3A_481 = vector.shape_cast %swap3A_480 : vector<1x16xf32> to vector<16xf32>
    %swap3A_482 = vector.shape_cast %broadcast_in_dim3A_476 : vector<16xf32> to vector<1x16xf32>
    tpu.vector_store %arg6[%swap3A_478, %swap3A_479], %swap3A_482 {strides = array<i32>} : memref<8x128xf32, #tpu.memory_space<vmem>>, vector<1x16xf32>,
    %broadcast_in_dim3A_483 = arith.constant 0.000000e+00 : f32
    %broadcast_in_dim3A_484 = vector.broadcast %broadcast_in_dim3A_483 : f32 to vector<16xf32>
    %swap3A_485 = arith.constant 7 : i32
    %swap3A_486 = arith.index_cast %swap3A_485 : i32 to index
    %swap3A_487 = arith.constant 64 : index
    %swap3A_488 = tpu.vector_load %arg6[%swap3A_486, %swap3A_487] {strides = array<i32>} : memref<8x128xf32, #tpu.memory_space<vmem>>, vector<1x16xf32>,
    %swap3A_489 = vector.shape_cast %swap3A_488 : vector<1x16xf32> to vector<16xf32>
    %swap3A_490 = vector.shape_cast %broadcast_in_dim3A_484 : vector<16xf32> to vector<1x16xf32>
    tpu.vector_store %arg6[%swap3A_486, %swap3A_487], %swap3A_490 {strides = array<i32>} : memref<8x128xf32, #tpu.memory_space<vmem>>, vector<1x16xf32>,
    %broadcast_in_dim3A_491 = arith.constant 0.000000e+00 : f32
    %broadcast_in_dim3A_492 = vector.broadcast %broadcast_in_dim3A_491 : f32 to vector<16xf32>
    %swap3A_493 = arith.constant 7 : i32
    %swap3A_494 = arith.index_cast %swap3A_493 : i32 to index
    %swap3A_495 = arith.constant 80 : index
    %swap3A_496 = tpu.vector_load %arg6[%swap3A_494, %swap3A_495] {strides = array<i32>} : memref<8x128xf32, #tpu.memory_space<vmem>>, vector<1x16xf32>,
    %swap3A_497 = vector.shape_cast %swap3A_496 : vector<1x16xf32> to vector<16xf32>
    %swap3A_498 = vector.shape_cast %broadcast_in_dim3A_492 : vector<16xf32> to vector<1x16xf32>
    tpu.vector_store %arg6[%swap3A_494, %swap3A_495], %swap3A_498 {strides = array<i32>} : memref<8x128xf32, #tpu.memory_space<vmem>>, vector<1x16xf32>,
    %broadcast_in_dim3A_499 = arith.constant 0.000000e+00 : f32
    %broadcast_in_dim3A_500 = vector.broadcast %broadcast_in_dim3A_499 : f32 to vector<16xf32>
    %swap3A_501 = arith.constant 7 : i32
    %swap3A_502 = arith.index_cast %swap3A_501 : i32 to index
    %swap3A_503 = arith.constant 96 : index
    %swap3A_504 = tpu.vector_load %arg6[%swap3A_502, %swap3A_503] {strides = array<i32>} : memref<8x128xf32, #tpu.memory_space<vmem>>, vector<1x16xf32>,
    %swap3A_505 = vector.shape_cast %swap3A_504 : vector<1x16xf32> to vector<16xf32>
    %swap3A_506 = vector.shape_cast %broadcast_in_dim3A_500 : vector<16xf32> to vector<1x16xf32>
    tpu.vector_store %arg6[%swap3A_502, %swap3A_503], %swap3A_506 {strides = array<i32>} : memref<8x128xf32, #tpu.memory_space<vmem>>, vector<1x16xf32>,
    %broadcast_in_dim3A_507 = arith.constant 0.000000e+00 : f32
    %broadcast_in_dim3A_508 = vector.broadcast %broadcast_in_dim3A_507 : f32 to vector<16xf32>
    %swap3A_509 = arith.constant 7 : i32
    %swap3A_510 = arith.index_cast %swap3A_509 : i32 to index
    %swap3A_511 = arith.constant 112 : index
    %swap3A_512 = tpu.vector_load %arg6[%swap3A_510, %swap3A_511] {strides = array<i32>} : memref<8x128xf32, #tpu.memory_space<vmem>>, vector<1x16xf32>,
    %swap3A_513 = vector.shape_cast %swap3A_512 : vector<1x16xf32> to vector<16xf32>
    %swap3A_514 = vector.shape_cast %broadcast_in_dim3A_508 : vector<16xf32> to vector<1x16xf32>
    tpu.vector_store %arg6[%swap3A_510, %swap3A_511], %swap3A_514 {strides = array<i32>} : memref<8x128xf32, #tpu.memory_space<vmem>>, vector<1x16xf32>,
    %broadcast_in_dim3A_515 = arith.constant 0 : i32
    %broadcast_in_dim3A_516 = vector.broadcast %broadcast_in_dim3A_515 : i32 to vector<16xi32>
    %add3A_517 = vector.broadcast %mul3A_4 : i32 to vector<16xi32>
    %add3A_518 = arith.addi %broadcast_in_dim3A_516, %add3A_517 : vector<16xi32>
    %swap3A_519 = arith.constant 0 : index
    %swap3A_520 = tpu.vector_load %arg7[%swap3A_519] {strides = array<i32>} : memref<128xi32, #tpu.memory_space<vmem>>, vector<16xi32>,
    %swap3A_521 = vector.shape_cast %swap3A_520 : vector<16xi32> to vector<16xi32>
    %swap3A_522 = vector.shape_cast %add3A_518 : vector<16xi32> to vector<16xi32>
    tpu.vector_store %arg7[%swap3A_519], %swap3A_522 {strides = array<i32>} : memref<128xi32, #tpu.memory_space<vmem>>, vector<16xi32>,
    %broadcast_in_dim3A_523 = arith.constant 4 : i32
    %broadcast_in_dim3A_524 = vector.broadcast %broadcast_in_dim3A_523 : i32 to vector<16xi32>
    %add3A_525 = vector.broadcast %mul3A_4 : i32 to vector<16xi32>
    %add3A_526 = arith.addi %broadcast_in_dim3A_524, %add3A_525 : vector<16xi32>
    %swap3A_527 = arith.constant 0 : index
    %swap3A_528 = tpu.vector_load %arg8[%swap3A_527] {strides = array<i32>} : memref<128xi32, #tpu.memory_space<vmem>>, vector<16xi32>,
    %swap3A_529 = vector.shape_cast %swap3A_528 : vector<16xi32> to vector<16xi32>
    %swap3A_530 = vector.shape_cast %add3A_526 : vector<16xi32> to vector<16xi32>
    tpu.vector_store %arg8[%swap3A_527], %swap3A_530 {strides = array<i32>} : memref<128xi32, #tpu.memory_space<vmem>>, vector<16xi32>,
    %broadcast_in_dim3A_531 = arith.constant 0 : i32
    %broadcast_in_dim3A_532 = vector.broadcast %broadcast_in_dim3A_531 : i32 to vector<16xi32>
    %add3A_533 = vector.broadcast %mul3A_4 : i32 to vector<16xi32>
    %add3A_534 = arith.addi %broadcast_in_dim3A_532, %add3A_533 : vector<16xi32>
    %swap3A_535 = arith.constant 16 : index
    %swap3A_536 = tpu.vector_load %arg7[%swap3A_535] {strides = array<i32>} : memref<128xi32, #tpu.memory_space<vmem>>, vector<16xi32>,
    %swap3A_537 = vector.shape_cast %swap3A_536 : vector<16xi32> to vector<16xi32>
    %swap3A_538 = vector.shape_cast %add3A_534 : vector<16xi32> to vector<16xi32>
    tpu.vector_store %arg7[%swap3A_535], %swap3A_538 {strides = array<i32>} : memref<128xi32, #tpu.memory_space<vmem>>, vector<16xi32>,
    %broadcast_in_dim3A_539 = arith.constant 4 : i32
    %broadcast_in_dim3A_540 = vector.broadcast %broadcast_in_dim3A_539 : i32 to vector<16xi32>
    %add3A_541 = vector.broadcast %mul3A_4 : i32 to vector<16xi32>
    %add3A_542 = arith.addi %broadcast_in_dim3A_540, %add3A_541 : vector<16xi32>
    %swap3A_543 = arith.constant 16 : index
    %swap3A_544 = tpu.vector_load %arg8[%swap3A_543] {strides = array<i32>} : memref<128xi32, #tpu.memory_space<vmem>>, vector<16xi32>,
    %swap3A_545 = vector.shape_cast %swap3A_544 : vector<16xi32> to vector<16xi32>
    %swap3A_546 = vector.shape_cast %add3A_542 : vector<16xi32> to vector<16xi32>
    tpu.vector_store %arg8[%swap3A_543], %swap3A_546 {strides = array<i32>} : memref<128xi32, #tpu.memory_space<vmem>>, vector<16xi32>,
    %broadcast_in_dim3A_547 = arith.constant 1 : i32
    %broadcast_in_dim3A_548 = vector.broadcast %broadcast_in_dim3A_547 : i32 to vector<16xi32>
    %add3A_549 = vector.broadcast %mul3A_4 : i32 to vector<16xi32>
    %add3A_550 = arith.addi %broadcast_in_dim3A_548, %add3A_549 : vector<16xi32>
    %swap3A_551 = arith.constant 32 : index
    %swap3A_552 = tpu.vector_load %arg7[%swap3A_551] {strides = array<i32>} : memref<128xi32, #tpu.memory_space<vmem>>, vector<16xi32>,
    %swap3A_553 = vector.shape_cast %swap3A_552 : vector<16xi32> to vector<16xi32>
    %swap3A_554 = vector.shape_cast %add3A_550 : vector<16xi32> to vector<16xi32>
    tpu.vector_store %arg7[%swap3A_551], %swap3A_554 {strides = array<i32>} : memref<128xi32, #tpu.memory_space<vmem>>, vector<16xi32>,
    %broadcast_in_dim3A_555 = arith.constant 5 : i32
    %broadcast_in_dim3A_556 = vector.broadcast %broadcast_in_dim3A_555 : i32 to vector<16xi32>
    %add3A_557 = vector.broadcast %mul3A_4 : i32 to vector<16xi32>
    %add3A_558 = arith.addi %broadcast_in_dim3A_556, %add3A_557 : vector<16xi32>
    %swap3A_559 = arith.constant 32 : index
    %swap3A_560 = tpu.vector_load %arg8[%swap3A_559] {strides = array<i32>} : memref<128xi32, #tpu.memory_space<vmem>>, vector<16xi32>,
    %swap3A_561 = vector.shape_cast %swap3A_560 : vector<16xi32> to vector<16xi32>
    %swap3A_562 = vector.shape_cast %add3A_558 : vector<16xi32> to vector<16xi32>
    tpu.vector_store %arg8[%swap3A_559], %swap3A_562 {strides = array<i32>} : memref<128xi32, #tpu.memory_space<vmem>>, vector<16xi32>,
    %broadcast_in_dim3A_563 = arith.constant 1 : i32
    %broadcast_in_dim3A_564 = vector.broadcast %broadcast_in_dim3A_563 : i32 to vector<16xi32>
    %add3A_565 = vector.broadcast %mul3A_4 : i32 to vector<16xi32>
    %add3A_566 = arith.addi %broadcast_in_dim3A_564, %add3A_565 : vector<16xi32>
    %swap3A_567 = arith.constant 48 : index
    %swap3A_568 = tpu.vector_load %arg7[%swap3A_567] {strides = array<i32>} : memref<128xi32, #tpu.memory_space<vmem>>, vector<16xi32>,
    %swap3A_569 = vector.shape_cast %swap3A_568 : vector<16xi32> to vector<16xi32>
    %swap3A_570 = vector.shape_cast %add3A_566 : vector<16xi32> to vector<16xi32>
    tpu.vector_store %arg7[%swap3A_567], %swap3A_570 {strides = array<i32>} : memref<128xi32, #tpu.memory_space<vmem>>, vector<16xi32>,
    %broadcast_in_dim3A_571 = arith.constant 5 : i32
    %broadcast_in_dim3A_572 = vector.broadcast %broadcast_in_dim3A_571 : i32 to vector<16xi32>
    %add3A_573 = vector.broadcast %mul3A_4 : i32 to vector<16xi32>
    %add3A_574 = arith.addi %broadcast_in_dim3A_572, %add3A_573 : vector<16xi32>
    %swap3A_575 = arith.constant 48 : index
    %swap3A_576 = tpu.vector_load %arg8[%swap3A_575] {strides = array<i32>} : memref<128xi32, #tpu.memory_space<vmem>>, vector<16xi32>,
    %swap3A_577 = vector.shape_cast %swap3A_576 : vector<16xi32> to vector<16xi32>
    %swap3A_578 = vector.shape_cast %add3A_574 : vector<16xi32> to vector<16xi32>
    tpu.vector_store %arg8[%swap3A_575], %swap3A_578 {strides = array<i32>} : memref<128xi32, #tpu.memory_space<vmem>>, vector<16xi32>,
    %broadcast_in_dim3A_579 = arith.constant 2 : i32
    %broadcast_in_dim3A_580 = vector.broadcast %broadcast_in_dim3A_579 : i32 to vector<16xi32>
    %add3A_581 = vector.broadcast %mul3A_4 : i32 to vector<16xi32>
    %add3A_582 = arith.addi %broadcast_in_dim3A_580, %add3A_581 : vector<16xi32>
    %swap3A_583 = arith.constant 64 : index
    %swap3A_584 = tpu.vector_load %arg7[%swap3A_583] {strides = array<i32>} : memref<128xi32, #tpu.memory_space<vmem>>, vector<16xi32>,
    %swap3A_585 = vector.shape_cast %swap3A_584 : vector<16xi32> to vector<16xi32>
    %swap3A_586 = vector.shape_cast %add3A_582 : vector<16xi32> to vector<16xi32>
    tpu.vector_store %arg7[%swap3A_583], %swap3A_586 {strides = array<i32>} : memref<128xi32, #tpu.memory_space<vmem>>, vector<16xi32>,
    %broadcast_in_dim3A_587 = arith.constant 6 : i32
    %broadcast_in_dim3A_588 = vector.broadcast %broadcast_in_dim3A_587 : i32 to vector<16xi32>
    %add3A_589 = vector.broadcast %mul3A_4 : i32 to vector<16xi32>
    %add3A_590 = arith.addi %broadcast_in_dim3A_588, %add3A_589 : vector<16xi32>
    %swap3A_591 = arith.constant 64 : index
    %swap3A_592 = tpu.vector_load %arg8[%swap3A_591] {strides = array<i32>} : memref<128xi32, #tpu.memory_space<vmem>>, vector<16xi32>,
    %swap3A_593 = vector.shape_cast %swap3A_592 : vector<16xi32> to vector<16xi32>
    %swap3A_594 = vector.shape_cast %add3A_590 : vector<16xi32> to vector<16xi32>
    tpu.vector_store %arg8[%swap3A_591], %swap3A_594 {strides = array<i32>} : memref<128xi32, #tpu.memory_space<vmem>>, vector<16xi32>,
    %broadcast_in_dim3A_595 = arith.constant 2 : i32
    %broadcast_in_dim3A_596 = vector.broadcast %broadcast_in_dim3A_595 : i32 to vector<16xi32>
    %add3A_597 = vector.broadcast %mul3A_4 : i32 to vector<16xi32>
    %add3A_598 = arith.addi %broadcast_in_dim3A_596, %add3A_597 : vector<16xi32>
    %swap3A_599 = arith.constant 80 : index
    %swap3A_600 = tpu.vector_load %arg7[%swap3A_599] {strides = array<i32>} : memref<128xi32, #tpu.memory_space<vmem>>, vector<16xi32>,
    %swap3A_601 = vector.shape_cast %swap3A_600 : vector<16xi32> to vector<16xi32>
    %swap3A_602 = vector.shape_cast %add3A_598 : vector<16xi32> to vector<16xi32>
    tpu.vector_store %arg7[%swap3A_599], %swap3A_602 {strides = array<i32>} : memref<128xi32, #tpu.memory_space<vmem>>, vector<16xi32>,
    %broadcast_in_dim3A_603 = arith.constant 6 : i32
    %broadcast_in_dim3A_604 = vector.broadcast %broadcast_in_dim3A_603 : i32 to vector<16xi32>
    %add3A_605 = vector.broadcast %mul3A_4 : i32 to vector<16xi32>
    %add3A_606 = arith.addi %broadcast_in_dim3A_604, %add3A_605 : vector<16xi32>
    %swap3A_607 = arith.constant 80 : index
    %swap3A_608 = tpu.vector_load %arg8[%swap3A_607] {strides = array<i32>} : memref<128xi32, #tpu.memory_space<vmem>>, vector<16xi32>,
    %swap3A_609 = vector.shape_cast %swap3A_608 : vector<16xi32> to vector<16xi32>
    %swap3A_610 = vector.shape_cast %add3A_606 : vector<16xi32> to vector<16xi32>
    tpu.vector_store %arg8[%swap3A_607], %swap3A_610 {strides = array<i32>} : memref<128xi32, #tpu.memory_space<vmem>>, vector<16xi32>,
    %broadcast_in_dim3A_611 = arith.constant 3 : i32
    %broadcast_in_dim3A_612 = vector.broadcast %broadcast_in_dim3A_611 : i32 to vector<16xi32>
    %add3A_613 = vector.broadcast %mul3A_4 : i32 to vector<16xi32>
    %add3A_614 = arith.addi %broadcast_in_dim3A_612, %add3A_613 : vector<16xi32>
    %swap3A_615 = arith.constant 96 : index
    %swap3A_616 = tpu.vector_load %arg7[%swap3A_615] {strides = array<i32>} : memref<128xi32, #tpu.memory_space<vmem>>, vector<16xi32>,
    %swap3A_617 = vector.shape_cast %swap3A_616 : vector<16xi32> to vector<16xi32>
    %swap3A_618 = vector.shape_cast %add3A_614 : vector<16xi32> to vector<16xi32>
    tpu.vector_store %arg7[%swap3A_615], %swap3A_618 {strides = array<i32>} : memref<128xi32, #tpu.memory_space<vmem>>, vector<16xi32>,
    %broadcast_in_dim3A_619 = arith.constant 7 : i32
    %broadcast_in_dim3A_620 = vector.broadcast %broadcast_in_dim3A_619 : i32 to vector<16xi32>
    %add3A_621 = vector.broadcast %mul3A_4 : i32 to vector<16xi32>
    %add3A_622 = arith.addi %broadcast_in_dim3A_620, %add3A_621 : vector<16xi32>
    %swap3A_623 = arith.constant 96 : index
    %swap3A_624 = tpu.vector_load %arg8[%swap3A_623] {strides = array<i32>} : memref<128xi32, #tpu.memory_space<vmem>>, vector<16xi32>,
    %swap3A_625 = vector.shape_cast %swap3A_624 : vector<16xi32> to vector<16xi32>
    %swap3A_626 = vector.shape_cast %add3A_622 : vector<16xi32> to vector<16xi32>
    tpu.vector_store %arg8[%swap3A_623], %swap3A_626 {strides = array<i32>} : memref<128xi32, #tpu.memory_space<vmem>>, vector<16xi32>,
    %broadcast_in_dim3A_627 = arith.constant 3 : i32
    %broadcast_in_dim3A_628 = vector.broadcast %broadcast_in_dim3A_627 : i32 to vector<16xi32>
    %add3A_629 = vector.broadcast %mul3A_4 : i32 to vector<16xi32>
    %add3A_630 = arith.addi %broadcast_in_dim3A_628, %add3A_629 : vector<16xi32>
    %swap3A_631 = arith.constant 112 : index
    %swap3A_632 = tpu.vector_load %arg7[%swap3A_631] {strides = array<i32>} : memref<128xi32, #tpu.memory_space<vmem>>, vector<16xi32>,
    %swap3A_633 = vector.shape_cast %swap3A_632 : vector<16xi32> to vector<16xi32>
    %swap3A_634 = vector.shape_cast %add3A_630 : vector<16xi32> to vector<16xi32>
    tpu.vector_store %arg7[%swap3A_631], %swap3A_634 {strides = array<i32>} : memref<128xi32, #tpu.memory_space<vmem>>, vector<16xi32>,
    %broadcast_in_dim3A_635 = arith.constant 7 : i32
    %broadcast_in_dim3A_636 = vector.broadcast %broadcast_in_dim3A_635 : i32 to vector<16xi32>
    %add3A_637 = vector.broadcast %mul3A_4 : i32 to vector<16xi32>
    %add3A_638 = arith.addi %broadcast_in_dim3A_636, %add3A_637 : vector<16xi32>
    %swap3A_639 = arith.constant 112 : index
    %swap3A_640 = tpu.vector_load %arg8[%swap3A_639] {strides = array<i32>} : memref<128xi32, #tpu.memory_space<vmem>>, vector<16xi32>,
    %swap3A_641 = vector.shape_cast %swap3A_640 : vector<16xi32> to vector<16xi32>
    %swap3A_642 = vector.shape_cast %add3A_638 : vector<16xi32> to vector<16xi32>
    tpu.vector_store %arg8[%swap3A_639], %swap3A_642 {strides = array<i32>} : memref<128xi32, #tpu.memory_space<vmem>>, vector<16xi32>,
    %add3A_643 = arith.constant 7440 : i32
    %add3A_644 = arith.addi %add3A_643, %mul3A_2 : i32
    %add3A_645 = arith.constant 0 : i32
    %add3A_646 = arith.addi %add3A_644, %add3A_645 : i32
    %mul3A_647 = arith.constant 32 : i32
    %mul3A_648 = arith.muli %add3A_646, %mul3A_647 : i32
    %dma_start3A = arith.constant 0 : i32
    %dma_start3A_649 = tpu.memref_slice %arg2[%mul3A_648, %dma_start3A] : memref<320000x128xf32, #tpu.memory_space<hbm>> -> memref<256x128xf32, #tpu.memory_space<hbm>>
    %dma_start3A_650 = arith.constant 0 : i32
    %dma_start3A_651 = tpu.memref_slice %arg2[%mul3A_648, %dma_start3A_650] : memref<320000x128xf32, #tpu.memory_space<hbm>> -> memref<256x128xf32, #tpu.memory_space<hbm>>
    tpu.enqueue_dma source(%dma_start3A_651 : memref<256x128xf32, #tpu.memory_space<hbm>>) target(%arg4 : memref<256x128xf32, #tpu.memory_space<vmem>>) target_semaphore(%arg10 : memref<!tpu.dma_semaphore, #tpu.memory_space<semaphore_mem>>)
    %add3A_652 = arith.constant 7440 : i32
    %add3A_653 = arith.addi %add3A_652, %mul3A_2 : i32
    %add3A_654 = arith.constant 8 : i32
    %add3A_655 = arith.addi %add3A_653, %add3A_654 : i32
    %mul3A_656 = arith.constant 32 : i32
    %mul3A_657 = arith.muli %add3A_655, %mul3A_656 : i32
    %dma_start3A_658 = arith.constant 0 : i32
    %dma_start3A_659 = tpu.memref_slice %arg2[%mul3A_657, %dma_start3A_658] : memref<320000x128xf32, #tpu.memory_space<hbm>> -> memref<256x128xf32, #tpu.memory_space<hbm>>
    %dma_start3A_660 = arith.constant 0 : i32
    %dma_start3A_661 = tpu.memref_slice %arg2[%mul3A_657, %dma_start3A_660] : memref<320000x128xf32, #tpu.memory_space<hbm>> -> memref<256x128xf32, #tpu.memory_space<hbm>>
    tpu.enqueue_dma source(%dma_start3A_661 : memref<256x128xf32, #tpu.memory_space<hbm>>) target(%arg5 : memref<256x128xf32, #tpu.memory_space<vmem>>) target_semaphore(%arg11 : memref<!tpu.dma_semaphore, #tpu.memory_space<semaphore_mem>>)
    %scan3A = arith.constant 0 : i32
    %scan3A_662 = arith.constant 0 : i32
    %scan3A_663 = arith.constant 5 : i32
    %scan3A_664 = arith.addi %scan3A_662, %scan3A_663 : i32
    %scan3A_665 = arith.constant 1 : i32
    scf.for %scan3A_667 = %scan3A_662 to %scan3A_664 step %scan3A_665  : i32 {
      %mul3A_668 = arith.constant 2 : i32
      %mul3A_669 = arith.muli %scan3A_667, %mul3A_668 : i32
      %add3A_670 = arith.constant 0 : i32
      %add3A_671 = arith.addi %mul3A_669, %add3A_670 : i32
      "tpu.region"() ({
        %run_scoped3A = tpu.sem_alloc : memref<!tpu.dma_semaphore, #tpu.memory_space<semaphore_mem>>
        %dma_start3A_714 = arith.constant 0 : i32
        %dma_start3A_715 = tpu.memref_slice %arg9[%mul3A_4, %dma_start3A_714] : memref<256x128xf32, #tpu.memory_space<vmem_shared>> -> memref<8x128xf32, #tpu.memory_space<vmem_shared>>
        %dma_start3A_716 = arith.constant 0 : i32
        %dma_start3A_717 = tpu.memref_slice %arg9[%mul3A_4, %dma_start3A_716] : memref<256x128xf32, #tpu.memory_space<vmem_shared>> -> memref<8x128xf32, #tpu.memory_space<vmem_shared>>
        tpu.enqueue_dma source(%arg6 : memref<8x128xf32, #tpu.memory_space<vmem>>) target(%dma_start3A_717 : memref<8x128xf32, #tpu.memory_space<vmem_shared>>) target_semaphore(%run_scoped3A : memref<!tpu.dma_semaphore, #tpu.memory_space<semaphore_mem>>)
        %dma_wait3A_718 = arith.constant 0 : i32
        %dma_wait3A_719 = tpu.memref_slice %arg9[%mul3A_4, %dma_wait3A_718] : memref<256x128xf32, #tpu.memory_space<vmem_shared>> -> memref<8x128xf32, #tpu.memory_space<vmem_shared>>
        %dma_wait3A_720 = arith.constant 0 : i32
        %dma_wait3A_721 = tpu.memref_slice %arg9[%mul3A_4, %dma_wait3A_720] : memref<256x128xf32, #tpu.memory_space<vmem_shared>> -> memref<8x128xf32, #tpu.memory_space<vmem_shared>>
        tpu.wait_dma2 semaphore(%run_scoped3A : memref<!tpu.dma_semaphore, #tpu.memory_space<semaphore_mem>>) src(%arg6 : memref<8x128xf32, #tpu.memory_space<vmem>>) dst(%dma_wait3A_721 : memref<8x128xf32, #tpu.memory_space<vmem_shared>>)
        tpu.yield
      }) : () -> ()
      %add3A_672 = arith.constant 7440 : i32
      %add3A_673 = arith.addi %add3A_672, %mul3A_2 : i32
      %mul3A_674 = arith.constant 8 : i32
      %mul3A_675 = arith.muli %add3A_671, %mul3A_674 : i32
      %add3A_676 = arith.addi %add3A_673, %mul3A_675 : i32
      %mul3A_677 = arith.constant 32 : i32
      %mul3A_678 = arith.muli %add3A_676, %mul3A_677 : i32
      %dma_wait3A = arith.constant 0 : i32
      %dma_wait3A_679 = tpu.memref_slice %arg2[%mul3A_678, %dma_wait3A] : memref<320000x128xf32, #tpu.memory_space<hbm>> -> memref<256x128xf32, #tpu.memory_space<hbm>>
      %dma_wait3A_680 = arith.constant 0 : i32
      %dma_wait3A_681 = tpu.memref_slice %arg2[%mul3A_678, %dma_wait3A_680] : memref<320000x128xf32, #tpu.memory_space<hbm>> -> memref<256x128xf32, #tpu.memory_space<hbm>>
      tpu.wait_dma2 semaphore(%arg10 : memref<!tpu.dma_semaphore, #tpu.memory_space<semaphore_mem>>) src(%dma_wait3A_681 : memref<256x128xf32, #tpu.memory_space<hbm>>) dst(%arg4 : memref<256x128xf32, #tpu.memory_space<vmem>>)
      "tpu.region"() ({
        %run_scoped3A = tpu.sem_alloc : memref<!tpu.dma_semaphore, #tpu.memory_space<semaphore_mem>>
        %dma_start3A_714 = arith.constant 0 : i32
        %dma_start3A_715 = arith.constant 0 : i32
        %dma_start3A_716 = tpu.memref_slice %arg4[%dma_start3A_714, %dma_start3A_715] : memref<256x128xf32, #tpu.memory_space<vmem>> -> memref<128x128xf32, #tpu.memory_space<vmem>>
        %dma_start3A_717 = arith.constant 0 : i32
        %dma_start3A_718 = arith.constant 0 : i32
        %dma_start3A_719 = tpu.memref_slice %arg9[%dma_start3A_717, %dma_start3A_718] : memref<256x128xf32, #tpu.memory_space<vmem_shared>> -> memref<256x128xf32, #tpu.memory_space<vmem_shared>>
        tpu.enqueue_indirect_dma source(%dma_start3A_716 : memref<128x128xf32, #tpu.memory_space<vmem>>) target(%dma_start3A_719 : memref<256x128xf32, #tpu.memory_space<vmem_shared>>) offsets(%arg7 : memref<128xi32, #tpu.memory_space<vmem>>) semaphore(%run_scoped3A : memref<!tpu.dma_semaphore, #tpu.memory_space<semaphore_mem>>) {add = true}
        %dma_wait3A_720 = arith.constant 0 : i32
        %dma_wait3A_721 = arith.constant 0 : i32
        %dma_wait3A_722 = tpu.memref_slice %arg4[%dma_wait3A_720, %dma_wait3A_721] : memref<256x128xf32, #tpu.memory_space<vmem>> -> memref<128x128xf32, #tpu.memory_space<vmem>>
        %dma_wait3A_723 = arith.constant 0 : i32
        %dma_wait3A_724 = arith.constant 0 : i32
        %dma_wait3A_725 = tpu.memref_slice %arg9[%dma_wait3A_723, %dma_wait3A_724] : memref<256x128xf32, #tpu.memory_space<vmem_shared>> -> memref<256x128xf32, #tpu.memory_space<vmem_shared>>
        tpu.wait_indirect_dma semaphore(%run_scoped3A : memref<!tpu.dma_semaphore, #tpu.memory_space<semaphore_mem>>) src(%dma_wait3A_722 : memref<128x128xf32, #tpu.memory_space<vmem>>) dst(%dma_wait3A_725 : memref<256x128xf32, #tpu.memory_space<vmem_shared>>)
        tpu.yield
      }) : () -> ()
      "tpu.region"() ({
        %run_scoped3A = tpu.sem_alloc : memref<!tpu.dma_semaphore, #tpu.memory_space<semaphore_mem>>
        %dma_start3A_714 = arith.constant 128 : i32
        %dma_start3A_715 = arith.constant 0 : i32
        %dma_start3A_716 = tpu.memref_slice %arg4[%dma_start3A_714, %dma_start3A_715] : memref<256x128xf32, #tpu.memory_space<vmem>> -> memref<128x128xf32, #tpu.memory_space<vmem>>
        %dma_start3A_717 = arith.constant 0 : i32
        %dma_start3A_718 = arith.constant 0 : i32
        %dma_start3A_719 = tpu.memref_slice %arg9[%dma_start3A_717, %dma_start3A_718] : memref<256x128xf32, #tpu.memory_space<vmem_shared>> -> memref<256x128xf32, #tpu.memory_space<vmem_shared>>
        tpu.enqueue_indirect_dma source(%dma_start3A_716 : memref<128x128xf32, #tpu.memory_space<vmem>>) target(%dma_start3A_719 : memref<256x128xf32, #tpu.memory_space<vmem_shared>>) offsets(%arg8 : memref<128xi32, #tpu.memory_space<vmem>>) semaphore(%run_scoped3A : memref<!tpu.dma_semaphore, #tpu.memory_space<semaphore_mem>>) {add = true}
        %dma_wait3A_720 = arith.constant 128 : i32
        %dma_wait3A_721 = arith.constant 0 : i32
        %dma_wait3A_722 = tpu.memref_slice %arg4[%dma_wait3A_720, %dma_wait3A_721] : memref<256x128xf32, #tpu.memory_space<vmem>> -> memref<128x128xf32, #tpu.memory_space<vmem>>
        %dma_wait3A_723 = arith.constant 0 : i32
        %dma_wait3A_724 = arith.constant 0 : i32
        %dma_wait3A_725 = tpu.memref_slice %arg9[%dma_wait3A_723, %dma_wait3A_724] : memref<256x128xf32, #tpu.memory_space<vmem_shared>> -> memref<256x128xf32, #tpu.memory_space<vmem_shared>>
        tpu.wait_indirect_dma semaphore(%run_scoped3A : memref<!tpu.dma_semaphore, #tpu.memory_space<semaphore_mem>>) src(%dma_wait3A_722 : memref<128x128xf32, #tpu.memory_space<vmem>>) dst(%dma_wait3A_725 : memref<256x128xf32, #tpu.memory_space<vmem_shared>>)
        tpu.yield
      }) : () -> ()
      %add3A_682 = arith.constant 2 : i32
      %add3A_683 = arith.addi %add3A_671, %add3A_682 : i32
      %lt3A = arith.constant 10 : i32
      %lt3A_684 = arith.cmpi slt, %add3A_683, %lt3A : i32
      %convert_element_type3A = arith.extui %lt3A_684 : i1 to i32
      %cond3A = arith.constant 0 : i32
      %cond3A_685 = arith.cmpi ne, %convert_element_type3A, %cond3A : i32
      scf.if %cond3A_685 {
        %add3A_714 = arith.constant 2 : i32
        %add3A_715 = arith.addi %add3A_671, %add3A_714 : i32
        %add3A_716 = arith.constant 7440 : i32
        %add3A_717 = arith.addi %add3A_716, %mul3A_2 : i32
        %mul3A_718 = arith.constant 8 : i32
        %mul3A_719 = arith.muli %add3A_715, %mul3A_718 : i32
        %add3A_720 = arith.addi %add3A_717, %mul3A_719 : i32
        %mul3A_721 = arith.constant 32 : i32
        %mul3A_722 = arith.muli %add3A_720, %mul3A_721 : i32
        %dma_start3A_723 = arith.constant 0 : i32
        %dma_start3A_724 = tpu.memref_slice %arg2[%mul3A_722, %dma_start3A_723] : memref<320000x128xf32, #tpu.memory_space<hbm>> -> memref<256x128xf32, #tpu.memory_space<hbm>>
        %dma_start3A_725 = arith.constant 0 : i32
        %dma_start3A_726 = tpu.memref_slice %arg2[%mul3A_722, %dma_start3A_725] : memref<320000x128xf32, #tpu.memory_space<hbm>> -> memref<256x128xf32, #tpu.memory_space<hbm>>
        tpu.enqueue_dma source(%dma_start3A_726 : memref<256x128xf32, #tpu.memory_space<hbm>>) target(%arg4 : memref<256x128xf32, #tpu.memory_space<vmem>>) target_semaphore(%arg10 : memref<!tpu.dma_semaphore, #tpu.memory_space<semaphore_mem>>)
      } else {
      }
      %mul3A_686 = arith.constant 8 : i32
      %mul3A_687 = arith.muli %add3A_671, %mul3A_686 : i32
      %add3A_688 = arith.addi %mul3A_2, %mul3A_687 : i32
      "tpu.region"() ({
        %run_scoped3A = tpu.sem_alloc : memref<!tpu.dma_semaphore, #tpu.memory_space<semaphore_mem>>
        %dma_start3A_714 = arith.constant 0 : i32
        %dma_start3A_715 = tpu.memref_slice %arg3[%add3A_688, %dma_start3A_714] : memref<2560x128xf32, #tpu.memory_space<hbm>> -> memref<8x128xf32, #tpu.memory_space<hbm>>
        %dma_start3A_716 = arith.constant 0 : i32
        %dma_start3A_717 = tpu.memref_slice %arg9[%mul3A_4, %dma_start3A_716] : memref<256x128xf32, #tpu.memory_space<vmem_shared>> -> memref<8x128xf32, #tpu.memory_space<vmem_shared>>
        tpu.enqueue_dma source(%dma_start3A_717 : memref<8x128xf32, #tpu.memory_space<vmem_shared>>) target(%dma_start3A_715 : memref<8x128xf32, #tpu.memory_space<hbm>>) target_semaphore(%run_scoped3A : memref<!tpu.dma_semaphore, #tpu.memory_space<semaphore_mem>>)
        %dma_wait3A_718 = arith.constant 0 : i32
        %dma_wait3A_719 = tpu.memref_slice %arg3[%add3A_688, %dma_wait3A_718] : memref<2560x128xf32, #tpu.memory_space<hbm>> -> memref<8x128xf32, #tpu.memory_space<hbm>>
        %dma_wait3A_720 = arith.constant 0 : i32
        %dma_wait3A_721 = tpu.memref_slice %arg9[%mul3A_4, %dma_wait3A_720] : memref<256x128xf32, #tpu.memory_space<vmem_shared>> -> memref<8x128xf32, #tpu.memory_space<vmem_shared>>
        tpu.wait_dma2 semaphore(%run_scoped3A : memref<!tpu.dma_semaphore, #tpu.memory_space<semaphore_mem>>) src(%dma_wait3A_721 : memref<8x128xf32, #tpu.memory_space<vmem_shared>>) dst(%dma_wait3A_719 : memref<8x128xf32, #tpu.memory_space<hbm>>)
        tpu.yield
      }) : () -> ()
      %mul3A_689 = arith.constant 2 : i32
      %mul3A_690 = arith.muli %scan3A_667, %mul3A_689 : i32
      %add3A_691 = arith.constant 1 : i32
      %add3A_692 = arith.addi %mul3A_690, %add3A_691 : i32
      "tpu.region"() ({
        %run_scoped3A = tpu.sem_alloc : memref<!tpu.dma_semaphore, #tpu.memory_space<semaphore_mem>>
        %dma_start3A_714 = arith.constant 0 : i32
        %dma_start3A_715 = tpu.memref_slice %arg9[%mul3A_4, %dma_start3A_714] : memref<256x128xf32, #tpu.memory_space<vmem_shared>> -> memref<8x128xf32, #tpu.memory_space<vmem_shared>>
        %dma_start3A_716 = arith.constant 0 : i32
        %dma_start3A_717 = tpu.memref_slice %arg9[%mul3A_4, %dma_start3A_716] : memref<256x128xf32, #tpu.memory_space<vmem_shared>> -> memref<8x128xf32, #tpu.memory_space<vmem_shared>>
        tpu.enqueue_dma source(%arg6 : memref<8x128xf32, #tpu.memory_space<vmem>>) target(%dma_start3A_717 : memref<8x128xf32, #tpu.memory_space<vmem_shared>>) target_semaphore(%run_scoped3A : memref<!tpu.dma_semaphore, #tpu.memory_space<semaphore_mem>>)
        %dma_wait3A_718 = arith.constant 0 : i32
        %dma_wait3A_719 = tpu.memref_slice %arg9[%mul3A_4, %dma_wait3A_718] : memref<256x128xf32, #tpu.memory_space<vmem_shared>> -> memref<8x128xf32, #tpu.memory_space<vmem_shared>>
        %dma_wait3A_720 = arith.constant 0 : i32
        %dma_wait3A_721 = tpu.memref_slice %arg9[%mul3A_4, %dma_wait3A_720] : memref<256x128xf32, #tpu.memory_space<vmem_shared>> -> memref<8x128xf32, #tpu.memory_space<vmem_shared>>
        tpu.wait_dma2 semaphore(%run_scoped3A : memref<!tpu.dma_semaphore, #tpu.memory_space<semaphore_mem>>) src(%arg6 : memref<8x128xf32, #tpu.memory_space<vmem>>) dst(%dma_wait3A_721 : memref<8x128xf32, #tpu.memory_space<vmem_shared>>)
        tpu.yield
      }) : () -> ()
      %add3A_693 = arith.constant 7440 : i32
      %add3A_694 = arith.addi %add3A_693, %mul3A_2 : i32
      %mul3A_695 = arith.constant 8 : i32
      %mul3A_696 = arith.muli %add3A_692, %mul3A_695 : i32
      %add3A_697 = arith.addi %add3A_694, %mul3A_696 : i32
      %mul3A_698 = arith.constant 32 : i32
      %mul3A_699 = arith.muli %add3A_697, %mul3A_698 : i32
      %dma_wait3A_700 = arith.constant 0 : i32
      %dma_wait3A_701 = tpu.memref_slice %arg2[%mul3A_699, %dma_wait3A_700] : memref<320000x128xf32, #tpu.memory_space<hbm>> -> memref<256x128xf32, #tpu.memory_space<hbm>>
      %dma_wait3A_702 = arith.constant 0 : i32
      %dma_wait3A_703 = tpu.memref_slice %arg2[%mul3A_699, %dma_wait3A_702] : memref<320000x128xf32, #tpu.memory_space<hbm>> -> memref<256x128xf32, #tpu.memory_space<hbm>>
      tpu.wait_dma2 semaphore(%arg11 : memref<!tpu.dma_semaphore, #tpu.memory_space<semaphore_mem>>) src(%dma_wait3A_703 : memref<256x128xf32, #tpu.memory_space<hbm>>) dst(%arg5 : memref<256x128xf32, #tpu.memory_space<vmem>>)
      "tpu.region"() ({
        %run_scoped3A = tpu.sem_alloc : memref<!tpu.dma_semaphore, #tpu.memory_space<semaphore_mem>>
        %dma_start3A_714 = arith.constant 0 : i32
        %dma_start3A_715 = arith.constant 0 : i32
        %dma_start3A_716 = tpu.memref_slice %arg5[%dma_start3A_714, %dma_start3A_715] : memref<256x128xf32, #tpu.memory_space<vmem>> -> memref<128x128xf32, #tpu.memory_space<vmem>>
        %dma_start3A_717 = arith.constant 0 : i32
        %dma_start3A_718 = arith.constant 0 : i32
        %dma_start3A_719 = tpu.memref_slice %arg9[%dma_start3A_717, %dma_start3A_718] : memref<256x128xf32, #tpu.memory_space<vmem_shared>> -> memref<256x128xf32, #tpu.memory_space<vmem_shared>>
        tpu.enqueue_indirect_dma source(%dma_start3A_716 : memref<128x128xf32, #tpu.memory_space<vmem>>) target(%dma_start3A_719 : memref<256x128xf32, #tpu.memory_space<vmem_shared>>) offsets(%arg7 : memref<128xi32, #tpu.memory_space<vmem>>) semaphore(%run_scoped3A : memref<!tpu.dma_semaphore, #tpu.memory_space<semaphore_mem>>) {add = true}
        %dma_wait3A_720 = arith.constant 0 : i32
        %dma_wait3A_721 = arith.constant 0 : i32
        %dma_wait3A_722 = tpu.memref_slice %arg5[%dma_wait3A_720, %dma_wait3A_721] : memref<256x128xf32, #tpu.memory_space<vmem>> -> memref<128x128xf32, #tpu.memory_space<vmem>>
        %dma_wait3A_723 = arith.constant 0 : i32
        %dma_wait3A_724 = arith.constant 0 : i32
        %dma_wait3A_725 = tpu.memref_slice %arg9[%dma_wait3A_723, %dma_wait3A_724] : memref<256x128xf32, #tpu.memory_space<vmem_shared>> -> memref<256x128xf32, #tpu.memory_space<vmem_shared>>
        tpu.wait_indirect_dma semaphore(%run_scoped3A : memref<!tpu.dma_semaphore, #tpu.memory_space<semaphore_mem>>) src(%dma_wait3A_722 : memref<128x128xf32, #tpu.memory_space<vmem>>) dst(%dma_wait3A_725 : memref<256x128xf32, #tpu.memory_space<vmem_shared>>)
        tpu.yield
      }) : () -> ()
      "tpu.region"() ({
        %run_scoped3A = tpu.sem_alloc : memref<!tpu.dma_semaphore, #tpu.memory_space<semaphore_mem>>
        %dma_start3A_714 = arith.constant 128 : i32
        %dma_start3A_715 = arith.constant 0 : i32
        %dma_start3A_716 = tpu.memref_slice %arg5[%dma_start3A_714, %dma_start3A_715] : memref<256x128xf32, #tpu.memory_space<vmem>> -> memref<128x128xf32, #tpu.memory_space<vmem>>
        %dma_start3A_717 = arith.constant 0 : i32
        %dma_start3A_718 = arith.constant 0 : i32
        %dma_start3A_719 = tpu.memref_slice %arg9[%dma_start3A_717, %dma_start3A_718] : memref<256x128xf32, #tpu.memory_space<vmem_shared>> -> memref<256x128xf32, #tpu.memory_space<vmem_shared>>
        tpu.enqueue_indirect_dma source(%dma_start3A_716 : memref<128x128xf32, #tpu.memory_space<vmem>>) target(%dma_start3A_719 : memref<256x128xf32, #tpu.memory_space<vmem_shared>>) offsets(%arg8 : memref<128xi32, #tpu.memory_space<vmem>>) semaphore(%run_scoped3A : memref<!tpu.dma_semaphore, #tpu.memory_space<semaphore_mem>>) {add = true}
        %dma_wait3A_720 = arith.constant 128 : i32
        %dma_wait3A_721 = arith.constant 0 : i32
        %dma_wait3A_722 = tpu.memref_slice %arg5[%dma_wait3A_720, %dma_wait3A_721] : memref<256x128xf32, #tpu.memory_space<vmem>> -> memref<128x128xf32, #tpu.memory_space<vmem>>
        %dma_wait3A_723 = arith.constant 0 : i32
        %dma_wait3A_724 = arith.constant 0 : i32
        %dma_wait3A_725 = tpu.memref_slice %arg9[%dma_wait3A_723, %dma_wait3A_724] : memref<256x128xf32, #tpu.memory_space<vmem_shared>> -> memref<256x128xf32, #tpu.memory_space<vmem_shared>>
        tpu.wait_indirect_dma semaphore(%run_scoped3A : memref<!tpu.dma_semaphore, #tpu.memory_space<semaphore_mem>>) src(%dma_wait3A_722 : memref<128x128xf32, #tpu.memory_space<vmem>>) dst(%dma_wait3A_725 : memref<256x128xf32, #tpu.memory_space<vmem_shared>>)
        tpu.yield
      }) : () -> ()
      %add3A_704 = arith.constant 2 : i32
      %add3A_705 = arith.addi %add3A_692, %add3A_704 : i32
      %lt3A_706 = arith.constant 10 : i32
      %lt3A_707 = arith.cmpi slt, %add3A_705, %lt3A_706 : i32
      %convert_element_type3A_708 = arith.extui %lt3A_707 : i1 to i32
      %cond3A_709 = arith.constant 0 : i32
      %cond3A_710 = arith.cmpi ne, %convert_element_type3A_708, %cond3A_709 : i32
      scf.if %cond3A_710 {
        %add3A_714 = arith.constant 2 : i32
        %add3A_715 = arith.addi %add3A_692, %add3A_714 : i32
        %add3A_716 = arith.constant 7440 : i32
        %add3A_717 = arith.addi %add3A_716, %mul3A_2 : i32
        %mul3A_718 = arith.constant 8 : i32
        %mul3A_719 = arith.muli %add3A_715, %mul3A_718 : i32
        %add3A_720 = arith.addi %add3A_717, %mul3A_719 : i32
        %mul3A_721 = arith.constant 32 : i32
        %mul3A_722 = arith.muli %add3A_720, %mul3A_721 : i32
        %dma_start3A_723 = arith.constant 0 : i32
        %dma_start3A_724 = tpu.memref_slice %arg2[%mul3A_722, %dma_start3A_723] : memref<320000x128xf32, #tpu.memory_space<hbm>> -> memref<256x128xf32, #tpu.memory_space<hbm>>
        %dma_start3A_725 = arith.constant 0 : i32
        %dma_start3A_726 = tpu.memref_slice %arg2[%mul3A_722, %dma_start3A_725] : memref<320000x128xf32, #tpu.memory_space<hbm>> -> memref<256x128xf32, #tpu.memory_space<hbm>>
        tpu.enqueue_dma source(%dma_start3A_726 : memref<256x128xf32, #tpu.memory_space<hbm>>) target(%arg5 : memref<256x128xf32, #tpu.memory_space<vmem>>) target_semaphore(%arg11 : memref<!tpu.dma_semaphore, #tpu.memory_space<semaphore_mem>>)
      } else {
      }
      %mul3A_711 = arith.constant 8 : i32
      %mul3A_712 = arith.muli %add3A_692, %mul3A_711 : i32
      %add3A_713 = arith.addi %mul3A_2, %mul3A_712 : i32
      "tpu.region"() ({
        %run_scoped3A = tpu.sem_alloc : memref<!tpu.dma_semaphore, #tpu.memory_space<semaphore_mem>>
        %dma_start3A_714 = arith.constant 0 : i32
        %dma_start3A_715 = tpu.memref_slice %arg3[%add3A_713, %dma_start3A_714] : memref<2560x128xf32, #tpu.memory_space<hbm>> -> memref<8x128xf32, #tpu.memory_space<hbm>>
        %dma_start3A_716 = arith.constant 0 : i32
        %dma_start3A_717 = tpu.memref_slice %arg9[%mul3A_4, %dma_start3A_716] : memref<256x128xf32, #tpu.memory_space<vmem_shared>> -> memref<8x128xf32, #tpu.memory_space<vmem_shared>>
        tpu.enqueue_dma source(%dma_start3A_717 : memref<8x128xf32, #tpu.memory_space<vmem_shared>>) target(%dma_start3A_715 : memref<8x128xf32, #tpu.memory_space<hbm>>) target_semaphore(%run_scoped3A : memref<!tpu.dma_semaphore, #tpu.memory_space<semaphore_mem>>)
        %dma_wait3A_718 = arith.constant 0 : i32
        %dma_wait3A_719 = tpu.memref_slice %arg3[%add3A_713, %dma_wait3A_718] : memref<2560x128xf32, #tpu.memory_space<hbm>> -> memref<8x128xf32, #tpu.memory_space<hbm>>
        %dma_wait3A_720 = arith.constant 0 : i32
        %dma_wait3A_721 = tpu.memref_slice %arg9[%mul3A_4, %dma_wait3A_720] : memref<256x128xf32, #tpu.memory_space<vmem_shared>> -> memref<8x128xf32, #tpu.memory_space<vmem_shared>>
        tpu.wait_dma2 semaphore(%run_scoped3A : memref<!tpu.dma_semaphore, #tpu.memory_space<semaphore_mem>>) src(%dma_wait3A_721 : memref<8x128xf32, #tpu.memory_space<vmem_shared>>) dst(%dma_wait3A_719 : memref<8x128xf32, #tpu.memory_space<hbm>>)
        tpu.yield
      }) : () -> ()
    }
    %scan3A_666 = arith.constant 5 : i32
    return
  }
}

module attributes {stable_mosaic.version = 14 : i64} {
  func.func @_high_body(%arg0: i32, %arg1: memref<10000x256xf32, #tpu.memory_space<any>>, %arg2: memref<80x128xf32, #tpu.memory_space<vmem>>, %arg3: memref<80x128xf32, #tpu.memory_space<vmem>>, %arg4: memref<128x128xf32, #tpu.memory_space<vmem>>, %arg5: memref<1x128xf32, #tpu.memory_space<vmem>>, %arg6: memref<128x128xf32, #tpu.memory_space<vmem>>, %arg7: memref<1x128xf32, #tpu.memory_space<vmem>>, %arg8: memref<80x256xf32, #tpu.memory_space<vmem>>) attributes {dimension_semantics = [#tpu.dimension_semantics<arbitrary>], iteration_bounds = array<i64: 32>, scalar_prefetch = 0 : i64, scratch_operands = 0 : i64, tpu.core_type = #tpu.core_type<tc>, window_params = [{}, {transform_indices = @transform_1, window_bounds = array<i64: 80, 128>}, {transform_indices = @transform_2, window_bounds = array<i64: 80, 128>}, {pipeline_mode = #tpu.pipeline_mode<synchronous>, transform_indices = @transform_3, window_bounds = array<i64: 128, 128>}, {pipeline_mode = #tpu.pipeline_mode<synchronous>, transform_indices = @transform_4, window_bounds = array<i64: 1, 128>}, {pipeline_mode = #tpu.pipeline_mode<synchronous>, transform_indices = @transform_5, window_bounds = array<i64: 128, 128>}, {pipeline_mode = #tpu.pipeline_mode<synchronous>, transform_indices = @transform_6, window_bounds = array<i64: 1, 128>}, {transform_indices = @transform_7, window_bounds = array<i64: 80, 256>}]} {
    %get3A = arith.constant 0 : index
    %get3A_0 = arith.constant 0 : index
    %get3A_1 = vector.load %arg2[%get3A, %get3A_0] : memref<80x128xf32, #tpu.memory_space<vmem>>, vector<80x128xf32>
    %get3A_2 = arith.constant 0 : index
    %get3A_3 = arith.constant 0 : index
    %get3A_4 = vector.load %arg4[%get3A_2, %get3A_3] : memref<128x128xf32, #tpu.memory_space<vmem>>, vector<128x128xf32>
    %dot_general3A = arith.constant dense<0.000000e+00> : vector<80x128xf32>
    %dot_general3A_5 = tpu.matmul %get3A_1, %get3A_4, %dot_general3A {dimension_numbers = #tpu.dot_dimension_numbers<[1], [1], [0], [0], [0, 0, 1, 0], [], []>, transpose_lhs_hint = false} : vector<80x128xf32>, vector<128x128xf32>, vector<80x128xf32> -> vector<80x128xf32>
    %get3A_6 = arith.constant 0 : index
    %get3A_7 = arith.constant 0 : index
    %get3A_8 = vector.load %arg3[%get3A_6, %get3A_7] : memref<80x128xf32, #tpu.memory_space<vmem>>, vector<80x128xf32>
    %get3A_9 = arith.constant 0 : index
    %get3A_10 = arith.constant 0 : index
    %get3A_11 = vector.load %arg6[%get3A_9, %get3A_10] : memref<128x128xf32, #tpu.memory_space<vmem>>, vector<128x128xf32>
    %dot_general3A_12 = arith.constant dense<0.000000e+00> : vector<80x128xf32>
    %dot_general3A_13 = tpu.matmul %get3A_8, %get3A_11, %dot_general3A_12 {dimension_numbers = #tpu.dot_dimension_numbers<[1], [1], [0], [0], [0, 0, 1, 0], [], []>, transpose_lhs_hint = false} : vector<80x128xf32>, vector<128x128xf32>, vector<80x128xf32> -> vector<80x128xf32>
    %get3A_14 = arith.constant 0 : index
    %get3A_15 = arith.constant 0 : index
    %get3A_16 = vector.load %arg5[%get3A_14, %get3A_15] : memref<1x128xf32, #tpu.memory_space<vmem>>, vector<1x128xf32>
    %add3A = vector.broadcast %get3A_16 : vector<1x128xf32> to vector<80x128xf32>
    %add3A_17 = arith.addf %dot_general3A_5, %add3A : vector<80x128xf32>
    %max3A = arith.constant 0.000000e+00 : f32
    %max3A_18 = vector.broadcast %max3A : f32 to vector<80x128xf32>
    %max3A_19 = arith.maximumf %add3A_17, %max3A_18 : vector<80x128xf32>
    %swap3A = arith.constant 0 : index
    %swap3A_20 = arith.constant 0 : index
    %swap3A_21 = vector.load %arg8[%swap3A, %swap3A_20] : memref<80x256xf32, #tpu.memory_space<vmem>>, vector<80x128xf32>
    tpu.vector_store %arg8[%swap3A, %swap3A_20], %max3A_19 {strides = array<i32>} : memref<80x256xf32, #tpu.memory_space<vmem>>, vector<80x128xf32>,
    %get3A_22 = arith.constant 0 : index
    %get3A_23 = arith.constant 0 : index
    %get3A_24 = vector.load %arg7[%get3A_22, %get3A_23] : memref<1x128xf32, #tpu.memory_space<vmem>>, vector<1x128xf32>
    %add3A_25 = vector.broadcast %get3A_24 : vector<1x128xf32> to vector<80x128xf32>
    %add3A_26 = arith.addf %dot_general3A_13, %add3A_25 : vector<80x128xf32>
    %max3A_27 = arith.constant 0.000000e+00 : f32
    %max3A_28 = vector.broadcast %max3A_27 : f32 to vector<80x128xf32>
    %max3A_29 = arith.maximumf %add3A_26, %max3A_28 : vector<80x128xf32>
    %swap3A_30 = arith.constant 0 : index
    %swap3A_31 = arith.constant 128 : index
    %swap3A_32 = vector.load %arg8[%swap3A_30, %swap3A_31] : memref<80x256xf32, #tpu.memory_space<vmem>>, vector<80x128xf32>
    tpu.vector_store %arg8[%swap3A_30, %swap3A_31], %max3A_29 {strides = array<i32>} : memref<80x256xf32, #tpu.memory_space<vmem>>, vector<80x128xf32>,
    return
  }
  func.func @transform_1(%arg0: i32) -> (i32, i32) {
    %add3A = arith.constant 93 : i32
    %add3A_0 = arith.addi %add3A, %arg0 : i32
    %c0_i32 = arith.constant 0 : i32
    %c0_i32_1 = arith.constant 0 : i32
    return %add3A_0, %c0_i32 : i32, i32
  }
  func.func @transform_2(%arg0: i32) -> (i32, i32) {
    %c0_i32 = arith.constant 0 : i32
    %c0_i32_0 = arith.constant 0 : i32
    return %arg0, %c0_i32 : i32, i32
  }
  func.func @transform_3(%arg0: i32) -> (i32, i32) {
    %c0_i32 = arith.constant 0 : i32
    %c0_i32_0 = arith.constant 0 : i32
    %c0_i32_1 = arith.constant 0 : i32
    return %c0_i32, %c0_i32_0 : i32, i32
  }
  func.func @transform_4(%arg0: i32) -> (i32, i32) {
    %c0_i32 = arith.constant 0 : i32
    %c0_i32_0 = arith.constant 0 : i32
    %c0_i32_1 = arith.constant 0 : i32
    return %c0_i32, %c0_i32_0 : i32, i32
  }
  func.func @transform_5(%arg0: i32) -> (i32, i32) {
    %c0_i32 = arith.constant 0 : i32
    %c0_i32_0 = arith.constant 0 : i32
    %c0_i32_1 = arith.constant 0 : i32
    return %c0_i32, %c0_i32_0 : i32, i32
  }
  func.func @transform_6(%arg0: i32) -> (i32, i32) {
    %c0_i32 = arith.constant 0 : i32
    %c0_i32_0 = arith.constant 0 : i32
    %c0_i32_1 = arith.constant 0 : i32
    return %c0_i32, %c0_i32_0 : i32, i32
  }
  func.func @transform_7(%arg0: i32) -> (i32, i32) {
    %add3A = arith.constant 93 : i32
    %add3A_0 = arith.addi %add3A, %arg0 : i32
    %c0_i32 = arith.constant 0 : i32
    %c0_i32_1 = arith.constant 0 : i32
    return %add3A_0, %c0_i32 : i32, i32
  }
}

module attributes {stable_mosaic.version = 14 : i64} {
  func.func @_fused_low_body(%arg0: i32, %arg1: memref<240x128xf32, #tpu.memory_space<vmem>>, %arg2: memref<7680x128xf32, #tpu.memory_space<vmem>>, %arg3: memref<128x128xf32, #tpu.memory_space<vmem>>, %arg4: memref<1x128xf32, #tpu.memory_space<vmem>>, %arg5: memref<128x128xf32, #tpu.memory_space<vmem>>, %arg6: memref<1x128xf32, #tpu.memory_space<vmem>>, %arg7: memref<240x256xf32, #tpu.memory_space<vmem>>) attributes {dimension_semantics = [#tpu.dimension_semantics<arbitrary>], iteration_bounds = array<i64: 31>, scalar_prefetch = 0 : i64, scratch_operands = 0 : i64, tpu.core_type = #tpu.core_type<tc>, window_params = [{transform_indices = @transform_0, window_bounds = array<i64: 240, 128>}, {transform_indices = @transform_1, window_bounds = array<i64: 7680, 128>}, {pipeline_mode = #tpu.pipeline_mode<synchronous>, transform_indices = @transform_2, window_bounds = array<i64: 128, 128>}, {pipeline_mode = #tpu.pipeline_mode<synchronous>, transform_indices = @transform_3, window_bounds = array<i64: 1, 128>}, {pipeline_mode = #tpu.pipeline_mode<synchronous>, transform_indices = @transform_4, window_bounds = array<i64: 128, 128>}, {pipeline_mode = #tpu.pipeline_mode<synchronous>, transform_indices = @transform_5, window_bounds = array<i64: 1, 128>}, {transform_indices = @transform_6, window_bounds = array<i64: 240, 256>}]} {
    %get3A = arith.constant 0 : index
    %get3A_0 = arith.constant 0 : index
    %get3A_1 = vector.load %arg2[%get3A, %get3A_0] : memref<7680x128xf32, #tpu.memory_space<vmem>>, vector<7680x128xf32>
    %reshape3A = vector.shape_cast %get3A_1 : vector<7680x128xf32> to vector<240x32x128xf32>
    %reduce_sum3A = arith.constant dense<0.000000e+00> : vector<240x128xf32>
    %reduce_sum3A_2 = vector.multi_reduction <add>, %reshape3A, %reduce_sum3A [1] : vector<240x32x128xf32> to vector<240x128xf32>
    %get3A_3 = arith.constant 0 : index
    %get3A_4 = arith.constant 0 : index
    %get3A_5 = vector.load %arg1[%get3A_3, %get3A_4] : memref<240x128xf32, #tpu.memory_space<vmem>>, vector<240x128xf32>
    %get3A_6 = arith.constant 0 : index
    %get3A_7 = arith.constant 0 : index
    %get3A_8 = vector.load %arg3[%get3A_6, %get3A_7] : memref<128x128xf32, #tpu.memory_space<vmem>>, vector<128x128xf32>
    %dot_general3A = arith.constant dense<0.000000e+00> : vector<240x128xf32>
    %dot_general3A_9 = tpu.matmul %get3A_5, %get3A_8, %dot_general3A {dimension_numbers = #tpu.dot_dimension_numbers<[1], [1], [0], [0], [0, 0, 1, 0], [], []>, transpose_lhs_hint = false} : vector<240x128xf32>, vector<128x128xf32>, vector<240x128xf32> -> vector<240x128xf32>
    %get3A_10 = arith.constant 0 : index
    %get3A_11 = arith.constant 0 : index
    %get3A_12 = vector.load %arg5[%get3A_10, %get3A_11] : memref<128x128xf32, #tpu.memory_space<vmem>>, vector<128x128xf32>
    %dot_general3A_13 = arith.constant dense<0.000000e+00> : vector<240x128xf32>
    %dot_general3A_14 = tpu.matmul %reduce_sum3A_2, %get3A_12, %dot_general3A_13 {dimension_numbers = #tpu.dot_dimension_numbers<[1], [1], [0], [0], [0, 0, 1, 0], [], []>, transpose_lhs_hint = false} : vector<240x128xf32>, vector<128x128xf32>, vector<240x128xf32> -> vector<240x128xf32>
    %get3A_15 = arith.constant 0 : index
    %get3A_16 = arith.constant 0 : index
    %get3A_17 = vector.load %arg4[%get3A_15, %get3A_16] : memref<1x128xf32, #tpu.memory_space<vmem>>, vector<1x128xf32>
    %add3A = vector.broadcast %get3A_17 : vector<1x128xf32> to vector<240x128xf32>
    %add3A_18 = arith.addf %dot_general3A_9, %add3A : vector<240x128xf32>
    %max3A = arith.constant 0.000000e+00 : f32
    %max3A_19 = vector.broadcast %max3A : f32 to vector<240x128xf32>
    %max3A_20 = arith.maximumf %add3A_18, %max3A_19 : vector<240x128xf32>
    %swap3A = arith.constant 0 : index
    %swap3A_21 = arith.constant 0 : index
    %swap3A_22 = vector.load %arg7[%swap3A, %swap3A_21] : memref<240x256xf32, #tpu.memory_space<vmem>>, vector<240x128xf32>
    tpu.vector_store %arg7[%swap3A, %swap3A_21], %max3A_20 {strides = array<i32>} : memref<240x256xf32, #tpu.memory_space<vmem>>, vector<240x128xf32>,
    %get3A_23 = arith.constant 0 : index
    %get3A_24 = arith.constant 0 : index
    %get3A_25 = vector.load %arg6[%get3A_23, %get3A_24] : memref<1x128xf32, #tpu.memory_space<vmem>>, vector<1x128xf32>
    %add3A_26 = vector.broadcast %get3A_25 : vector<1x128xf32> to vector<240x128xf32>
    %add3A_27 = arith.addf %dot_general3A_14, %add3A_26 : vector<240x128xf32>
    %max3A_28 = arith.constant 0.000000e+00 : f32
    %max3A_29 = vector.broadcast %max3A_28 : f32 to vector<240x128xf32>
    %max3A_30 = arith.maximumf %add3A_27, %max3A_29 : vector<240x128xf32>
    %swap3A_31 = arith.constant 0 : index
    %swap3A_32 = arith.constant 128 : index
    %swap3A_33 = vector.load %arg7[%swap3A_31, %swap3A_32] : memref<240x256xf32, #tpu.memory_space<vmem>>, vector<240x128xf32>
    tpu.vector_store %arg7[%swap3A_31, %swap3A_32], %max3A_30 {strides = array<i32>} : memref<240x256xf32, #tpu.memory_space<vmem>>, vector<240x128xf32>,
    return
  }
  func.func @transform_0(%arg0: i32) -> (i32, i32) {
    %c0_i32 = arith.constant 0 : i32
    %c0_i32_0 = arith.constant 0 : i32
    return %arg0, %c0_i32 : i32, i32
  }
  func.func @transform_1(%arg0: i32) -> (i32, i32) {
    %c0_i32 = arith.constant 0 : i32
    %c0_i32_0 = arith.constant 0 : i32
    return %arg0, %c0_i32 : i32, i32
  }
  func.func @transform_2(%arg0: i32) -> (i32, i32) {
    %c0_i32 = arith.constant 0 : i32
    %c0_i32_0 = arith.constant 0 : i32
    %c0_i32_1 = arith.constant 0 : i32
    return %c0_i32, %c0_i32_0 : i32, i32
  }
  func.func @transform_3(%arg0: i32) -> (i32, i32) {
    %c0_i32 = arith.constant 0 : i32
    %c0_i32_0 = arith.constant 0 : i32
    %c0_i32_1 = arith.constant 0 : i32
    return %c0_i32, %c0_i32_0 : i32, i32
  }
  func.func @transform_4(%arg0: i32) -> (i32, i32) {
    %c0_i32 = arith.constant 0 : i32
    %c0_i32_0 = arith.constant 0 : i32
    %c0_i32_1 = arith.constant 0 : i32
    return %c0_i32, %c0_i32_0 : i32, i32
  }
  func.func @transform_5(%arg0: i32) -> (i32, i32) {
    %c0_i32 = arith.constant 0 : i32
    %c0_i32_0 = arith.constant 0 : i32
    %c0_i32_1 = arith.constant 0 : i32
    return %c0_i32, %c0_i32_0 : i32, i32
  }
  func.func @transform_6(%arg0: i32) -> (i32, i32) {
    %c0_i32 = arith.constant 0 : i32
    %c0_i32_0 = arith.constant 0 : i32
    return %arg0, %c0_i32 : i32, i32
  }
}

</mosaic_0001>

<sc_bundles>
// kernel: _hybrid.5.cloned.1.call-start
scs
__scs_entry_jumppad:
0x0: {  	(pc) =	sbr.rel $0x88, $3  }
0x1: {  	(tag) =	ssettag $0x0;
	lr =	simm.s32 $0x1  }
0x2: {  	[smem:$0x3F9B] =	sst lr;
	_ =	strace $0xD0000000  }
0x3: {  	_ = 	snop  }
0x4: {  	_ = 	snop  }
0x5: {  	_ = 	snop  }
0x6: {  	_ = 	snop  }
0x7: {  	_ = 	snop  }
__scs_overlays_trampoline_lowered:
0x8: {  	[smem:$0x3FAA] =	sst s0  }
0x9: {  	[smem:$0x3FAB] =	sst s1  }
0xa: {  	[smem:$0x3FAC] =	sst s2  }
0xb: {  	[smem:$0x3FAD] =	sst s3  }
0xc: {  	[smem:$0x3FAE] =	sst s4  }
0xd: {  	[smem:$0x3FAF] =	sst s5  }
0xe: {  	[smem:$0x3FB0] =	sst s6  }
0xf: {  	[smem:$0x3FB1] =	sst s7  }
0x10: {  	[smem:$0x3FB2] =	sst s8  }
0x11: {  	[smem:$0x3FB3] =	sst s9;
	s0 =	simm.s32 @!p0 $0x0  }
0x12: {  	s1 =	sld [smem:$0x3F99];
	s0 =	simm.s32 @p0 $0x1  }
0x13: {  	[smem:$0x3FB4] =	sst s0;
	s0 =	simm.s32 @!p1 $0x0  }
0x14: {  	s2 =	sld [smem:$0x3F98];
	s0 =	simm.s32 @p1 $0x1  }
0x15: {  	[smem:$0x3FB5] =	sst s0;
	s0 =	simm.s32 @!p2 $0x0  }
0x16: {  	s3 =	sld [smem:$0x3FDB];
	s0 =	simm.s32 @p2 $0x1  }
0x17: {  	s4 =	simm.s32 $0x1BF5;
	[smem:$0x3FB7] =	sst s0  }
0x18: {  	s0 =	sld [smem:$0x3F9A];
	_ =	swait.ge [sflag:s4], $0x0  }
0x19: {  	s7 =	sld [smem:$0x3F9B]  }
0x1a: {  	s8 =	sadd.s32 $0xFFFFE003, lr  }
0x1b: {  	s9 =	sadd.s32 $0xFFFFFEF7, lr;
	s5 =	simm.s32 $0xFFFFFFFF;
	p2 =	slt.u32 s8, $0xFFFFF086  }
0x1c: {  	p1 =	slt.u32 s9, $0xF7A;
	s5 =	simm.s32 @!p2 $0x0  }
0x1d: {  	s5 =	simm.s32 @p1 $0x1;
	p0 =	seq.s32 s7, s2  }
0x1e: {  	s7 =	smul.u32 @!p0 $0xF7A, s2;
	p2 =	seq.s32 @!p0 s5, $0x0  }
0x1f: {  	s9 =	smul.u32 $0xF7A, s1;
	s8 =	simm.s32 @!p0 $0x1BF5;
	p2 =	por !p2, p0  }
0x20: {  	[sflag:s8] =	ssyncset.s32 @!p0 $0xFFFFF086;
	s6 =	sadd.s32 @!p0 s3, s7;
	s7 =	simm.s32 @!p0 $0x108  }
0x21: {  	s3 =	sadd.s32 s3, s9;
	s6 =	sadd.s32 @!p0 $0x88, s6;
	s7 =	simm.s32 @p2 $0x1082  }
0x22: {  	[simem:s7], [sflag:s8] =	dma.local @!p0 [hbm:s6], $0xF7A  }
0x23: {  	s9 =	sor.u32 $0xD0000000, s2;
	s6 =	simm.s32 $0x108;
	_ =	swait.ge @!p0 [sflag:s8], $0x0  }
0x24: {  	s3 =	sadd.s32 $0x88, s3;
	s6 =	simm.s32 @!p1 $0x1082;
	[sflag:s4] =	ssyncset.s32 $0xFFFFF086  }
0x25: {  	[simem:s6], [sflag:s4] =	dma.local [hbm:s3], $0xF7A  }
0x26: {  	[smem:$0x3F9B] =	sst s1;
	(tag) =	ssettag s2;
	_ =	strace s9  }
0x27: {  	s1 =	sld [smem:$0x3FAB]  }
0x28: {  	s2 =	sld [smem:$0x3FAC]  }
0x29: {  	s4 =	sld [smem:$0x3FAE]  }
0x2a: {  	p0 =	seq.s32 s5, $0x0;
	s5 =	sld [smem:$0x3FAF]  }
0x2b: {  	s6 =	sld [smem:$0x3FB0]  }
0x2c: {  	s7 =	sld [smem:$0x3FB1]  }
0x2d: {  	s3 =	simm.s32 $0x108;
	s8 =	sld [smem:$0x3FB2]  }
0x2e: {  	s3 =	simm.s32 @!p0 $0x1082;
	s9 =	sld [smem:$0x3FB3]  }
0x2f: {  	lr =	sadd.s32 s0, s3;
	s0 =	sld [smem:$0x3FAA]  }
0x30: {  	s3 =	sld [smem:$0x3FAD]  }
0x31: {  	[smem:$0x3FB6] =	sst s10  }
0x32: {  	s10 =	sld [smem:$0x3FB4];
	_ =	sdelay $0x3  }
0x33: {  	p0 =	seq.s32 s10, $0x1;
	s10 =	sld [smem:$0x3FB6];
	_ =	sdelay $0x3  }
0x34: {  	[smem:$0x3FB6] =	sst s10  }
0x35: {  	s10 =	sld [smem:$0x3FB5];
	_ =	sdelay $0x3  }
0x36: {  	p1 =	seq.s32 s10, $0x1;
	s10 =	sld [smem:$0x3FB6];
	_ =	sdelay $0x3  }
0x37: {  	[smem:$0x3FB6] =	sst s10  }
0x38: {  	s10 =	sld [smem:$0x3FB7]  }
0x39: {  	_ = 	snop;
	(pc) =	sbr.ind lr, $3  }
0x3a: {  	_ = 	snop  }
0x3b: {  	_ = 	snop  }
0x3c: {  	p2 =	seq.s32 s10, $0x1;
	s10 =	sld [smem:$0x3FB6]  }
0x3d: {  	_ =	shalt  }
0x3e: {  	_ =	shalt  }
0x3f: {  	_ =	shalt  }
0x40: {  	_ =	shalt  }
0x41: {  	_ =	shalt  }
0x42: {  	_ =	shalt  }
0x43: {  	_ =	shalt  }
0x44: {  	_ =	shalt  }
0x45: {  	_ =	shalt  }
0x46: {  	_ =	shalt  }
0x47: {  	_ =	shalt  }
0x48: {  	_ =	shalt  }
0x49: {  	_ =	shalt  }
0x4a: {  	_ =	shalt  }
0x4b: {  	_ =	shalt  }
0x4c: {  	_ =	shalt  }
0x4d: {  	_ =	shalt  }
0x4e: {  	_ =	shalt  }
0x4f: {  	_ =	shalt  }
0x50: {  	_ =	shalt  }
0x51: {  	_ =	shalt  }
0x52: {  	_ =	shalt  }
0x53: {  	_ =	shalt  }
0x54: {  	_ =	shalt  }
0x55: {  	_ =	shalt  }
0x56: {  	_ =	shalt  }
0x57: {  	_ =	shalt  }
0x58: {  	_ =	shalt  }
0x59: {  	_ =	shalt  }
0x5a: {  	_ =	shalt  }
0x5b: {  	_ =	shalt  }
0x5c: {  	_ =	shalt  }
0x5d: {  	_ =	shalt  }
0x5e: {  	_ =	shalt  }
0x5f: {  	_ =	shalt  }
0x60: {  	_ =	shalt  }
0x61: {  	_ =	shalt  }
0x62: {  	_ =	shalt  }
0x63: {  	_ =	shalt  }
0x64: {  	_ =	shalt  }
0x65: {  	_ =	shalt  }
0x66: {  	_ =	shalt  }
0x67: {  	_ =	shalt  }
0x68: {  	_ =	shalt  }
0x69: {  	_ =	shalt  }
0x6a: {  	_ =	shalt  }
0x6b: {  	_ =	shalt  }
0x6c: {  	_ =	shalt  }
0x6d: {  	_ =	shalt  }
0x6e: {  	_ =	shalt  }
0x6f: {  	_ =	shalt  }
0x70: {  	_ =	shalt  }
0x71: {  	_ =	shalt  }
0x72: {  	_ =	shalt  }
0x73: {  	_ =	shalt  }
0x74: {  	_ =	shalt  }
0x75: {  	_ =	shalt  }
0x76: {  	_ =	shalt  }
0x77: {  	_ =	shalt  }
0x78: {  	_ =	shalt  }
0x79: {  	_ =	shalt  }
0x7a: {  	_ =	shalt  }
0x7b: {  	_ =	shalt  }
0x7c: {  	_ =	shalt  }
0x7d: {  	_ =	shalt  }
0x7e: {  	_ =	shalt  }
0x7f: {  	_ =	shalt  }
0x80: {  	_ =	shalt  }
0x81: {  	_ =	shalt  }
0x82: {  	_ =	shalt  }
0x83: {  	_ =	shalt  }
0x84: {  	_ =	shalt  }
0x85: {  	_ =	shalt  }
0x86: {  	_ =	shalt  }
0x87: {  	_ =	shalt  }
.Lfunc_end0:
.L_simem_size_0:
called_computation_lowered:
.L_overlay_start_0:
0x88: {  	s2 =	sld [smem:$0x3FD9]  }
0x89: {  	s3 =	sld [smem:$0x3FFE];
	_ =	sdelay $0x1  }
0x8a: {  	s1 =	srdreg.scid  }
0x8b: {  	s0 =	sand.u32 $0x1, s1  }
0x8c: {  	s17 =	sshll.u32 s0, $0xA;
	s2 =	sadd.s32 s3, s2  }
0x8d: {  	s2 =	sadd.s32 s2, s17  }
0x8e: {  	[smem:$0x3FC2] =	sst s2  }
0x8f: {  	_ = 	snop  }
0x90: {  	s2 =	sld [smem:$0x3FC8];
	(tm) =	ssettm $0x1  }
0x91: {  	s18 =	sld [smem:$0x3FFB];
	_ =	sdelay $0x3  }
0x92: {  	_ =	strace s18  }
0x93: {  	s3 =	sld [smem:$0x3FFC];
	_ =	sdelay $0x3  }
0x94: {  	_ =	strace s3  }
0x95: {  	s3 =	sld [smem:$0x3FFD];
	_ =	sdelay $0x3  }
0x96: {  	_ =	strace s3  }
0x97: {  	_ =	strace $0x8FFFFFFF  }
0x98: {  	s19 =	sld [smem:$0x3FDB];
	_ =	sdelay $0x1  }
0x99: {  	s4 =	simm.s32 $_scs_section_size  }
0x9a: {  	s5 =	simm.s32 $_size__tile_overlayer_lowered;
	s6 =	simm.s32 $_tile_overlayer_lowered  }
0x9b: {  	s22 =	simm.s32 $0x1BFF;
	s21 =	sshll.u32 s6, $0x1;
	s3 =	sadd.s32 s4, s19  }
0x9c: {  	s7 =	simm.s32 $0x0;
	s20 =	sshll.u32 s5, $0x1;
	s5 =	sadd.s32 s21, s3  }
0x9d: {  	[timem:s7], [sflag:s22] =	dma.local [hbm:s5], s20  }
0x9e: {  	_ =	swait.ge [sflag:s22], s20  }
0x9f: {  	s4 =	ssub.s32 $0x0, s20;
	[sflag:s22] =	ssyncset.done $0x0  }
0xa0: {  	[sflag:s22] =	ssyncadd.s32 s4;
	_ =	sdelay $0x1  }
0xa1: {  	s23 =	simm.s32 $0x1B8B  }
0xa2: {  	_ =	swait.ge [sflag:s23], $0x1  }
0xa3: {  	[sflag:s23] =	ssyncset.done $0x0  }
0xa4: {  	s25 =	simm.s32 $0x1B8E;
	s24 =	sld [smem:$0x3FFE];
	[sflag:s23] =	ssyncadd.s32 $0xFFFFFFFF  }
0xa5: {  	s26 =	simm.s32 $execute0_lowered;
	[smem:$0x3FD2] =	sst s25  }
0xa6: {  	s5 =	sshll.u32 s26, $0x1;
	_ =	strace $0x80000046;
	[dreg:$0x1] =	wrdreg $0xFFFFFFFF  }
0xa7: {  	s28 =	simm.s32 $_size_execute0_lowered;
	s3 =	sadd.s32 s3, s5;
	[dreg:$0x0] =	wrdreg $0x0  }
0xa8: {  	s5 =	sshll.u32 s28, $0x1;
	[dreg:$0x2] =	wrdreg s3  }
0xa9: {  	[dreg:$0x3] =	wrdreg s5  }
0xaa: {  	[dreg:$0x4] =	wrdreg $0xC0  }
0xab: {  	_ =	task [dreg:s7], $0x5FFFF  }
0xac: {  	[dreg:$0x1] =	wrdreg $0xFFFFFFFF  }
0xad: {  	[dreg:$0x0] =	wrdreg $0x60  }
0xae: {  	[dreg:$0x2] =	wrdreg s2  }
0xaf: {  	[dreg:$0x3] =	wrdreg s24  }
0xb0: {  	[dreg:$0x4] =	wrdreg $0x105000  }
0xb1: {  	[dreg:$0x5] =	wrdreg $0x9  }
0xb2: {  	_ =	task.clear_ibuf [dreg:s7], $0x6FFFF;
	_ =	strace $0x90000046  }
0xb3: {  	s29 =	simm.s32 $0x9;
	_ =	strace $0x80000048  }
0xb4: {  	_ =	swait.ge [sflag:s29], $0x1  }
0xb5: {  	[sflag:s29] =	ssyncadd.s32 $0xFFFFFFFF  }
0xb6: {  	_ =	strace $0x90000048  }
0xb7: {  	_ =	sfence  }
0xb8: {  	s30 =	sld [smem:$0x0];
	_ =	sdelay $0x2  }
0xb9: {  	s31 =	sshll.u32 s1, $0xD;
	s1 =	sshrl.u32 s1, $0x2  }
0xba: {  	s3 =	sand.u32 $0x4000, s31;
	s1 =	sadd.s32 s1, s30  }
0xbb: {  	s0 =	sor.u32 s3, s0;
	s1 =	sshll.u32 s1, $0x11  }
0xbc: {  	s0 =	sor.u32 s1, s0  }
0xbd: {  	s0 =	sadd.s32 $0x8F2B, s0  }
0xbe: {  	[sflag:s0] =	ssyncadd.remote.s32 $0x1  }
0xbf: {  	_ =	sfence.sel $0xFFFF  }
0xc0: {  	[dreg:$0x0] =	wrdreg $0xFFFFFFFF;
	(pc) =	sbr.abs _section_cstart, $3  }
0xc1: {  	[dreg:$0x1] =	wrdreg $0xFFFFFFFF  }
0xc2: {  	_ =	task.clear_ibuf [dreg:s7], $0x2FFFF;
	_ =	strace $0x9FFFFFFF  }
0xc3: {  	(tm) =	ssettm $0x7FFFFFFF  }
tec
execute0_lowered:
.L_overlay_start_1:
0x0: {  	(tag) =	ssettag $0x1  }
0x1: {  	s10 =	rddreg [dreg:$0x0];
	s1 =	stileid.u32  }
0x2: {  	s4 =	rddreg [dreg:$0x1];
	s14 =	smul.u32 $0xA00, s1  }
0x3: {  	s5 =	srdreg.scid;
	s16 =	smul.u32 $0x5000, s1  }
0x4: {  	s2 =	rddreg [dreg:$0x2];
	s11 =	sand.u32 $0x1, s5;
	s18 =	smul.u32 $0x14000, s1  }
0x5: {  	s0 =	rddreg [dreg:$0x3];
	s3 =	simm.s32 $0x0;
	s25 =	smul.u32 $0x500, s11  }
0x6: {  	s19 =	simm.s32 $0x10480;
	s21 =	sshll.u32 s1, $0x1;
	s17 =	smul.u32 $0x2800, s11  }
0x7: {  	s20 =	simm.s32 $0x4000;
	s5 =	sor.u32 s11, s21;
	s26 =	smul.u32 $0xA000, s11  }
0x8: {  	[smem:$0x7FF] =	sst s3;
	s12 =	sadd.s32 $0x1000, s4;
	s8 =	smul.u32 $0xA000, s5  }
0x9: {  	s6 =	ssub.s32 $0x2, s11;
	_ =	strace $0x80000047;
	s22 =	smul.u32 $0x50000, s5  }
0xa: {  	s21 =	sshll.u32 s1, $0x6;
	s7 =	sshrl.u32 s6, $0x1;
	s24 =	smul.u32 $0x2800, s5  }
0xb: {  	s15 =	sshll.u32 s5, $0x3;
	s9 =	smul.u32 $0x500, s5;
	s13 =	sshll.u32 s5, $0xA  }
0xc: {  	s14 =	sadd.s32 s14, s12;
	s30 =	sadd.s32 s18, s10;
	s18 =	simm.s32 $0x10400  }
0xd: {  	s21 =	sor.u32 $0x1C03, s21;
	s7 =	ssub.s32 s6, s7;
	s16 =	sadd.s32 s17, s16  }
0xe: {  	s28 =	sadd.s32 s25, s14;
	s31 =	sadd.s32 s26, s30;
	s14 =	simm.s32 $0x10000  }
0xf: {  	v0 =	vmov s15;
	s15 =	simm.s32 $0x3;
	s17 =	simm.s32 $0x80;
	s25 =	simm.s32 $0x0  }
0x10: {  	s23 =	sadd.s32 s10, s8;
	s6 =	sshrl.u32 s22, $0x3;
	s7 =	smax.u32 s7, $0x1  }
0x11: {  	s8 =	sshrl.u32 s24, $0x3;
	s9 =	sadd.s32 s9, s12;
	s29 =	sshrl.u32 s16, $0x3  }
0x12: {  	s16 =	simm.s32 $0x1;
	s24 =	simm.s32 $0xC000;
	s4 =	sadd.s32 $0x3A2000, s23  }
0x13: {  	s6 =	sadd.s32 s10, s6;
	s8 =	sadd.s32 s12, s8;
	s9 =	sadd.s32 $0x480, s9  }
0x14: {  	v8 =	vimm.f32 $0.0e+00;
	v1 =	vor.u32 $0x4, v0;
	s10 =	sadd.s32 $0x80, s28;
	s11 =	sadd.s32 s29, s12;
	s12 =	sadd.s32 $0x3A5000, s31  }
0x15: {  	v2 =	vor.u32 $0x1, v0;
	v3 =	vor.u32 $0x5, v0;
	v4 =	vor.u32 $0x2, v0;
	s23 =	simm.s32 $0x2;
	s5 =	sadd.s32 $0x3A3000, s6;
	s6 =	sadd.s32 s13, s2  }
0x16: {  	v5 =	vor.u32 $0x6, v0;
	v6 =	vor.u32 $0x3, v0;
	v7 =	vor.u32 $0x7, v0;
	s8 =	sadd.s32 $0x400, s8;
	s13 =	simm.s32 $0x8000;
	s22 =	sshrl.u32 s6, $0x3  }
.LBB2_1:
0x17: {  	[tilespmem:$0x10000] =	vst v8  }
0x18: {  	[tilespmem:$0x10010] =	vst v8  }
0x19: {  	[tilespmem:$0x10020] =	vst v8  }
0x1a: {  	[tilespmem:$0x10030] =	vst v8  }
0x1b: {  	[tilespmem:$0x10040] =	vst v8  }
0x1c: {  	[tilespmem:$0x10050] =	vst v8  }
0x1d: {  	[tilespmem:$0x10060] =	vst v8  }
0x1e: {  	[tilespmem:$0x10070] =	vst v8  }
0x1f: {  	[tilespmem:$0x10080] =	vst v8  }
0x20: {  	[tilespmem:$0x10090] =	vst v8  }
0x21: {  	[tilespmem:$0x100A0] =	vst v8  }
0x22: {  	[tilespmem:$0x100B0] =	vst v8  }
0x23: {  	[tilespmem:$0x100C0] =	vst v8  }
0x24: {  	[tilespmem:$0x100D0] =	vst v8  }
0x25: {  	[tilespmem:$0x100E0] =	vst v8  }
0x26: {  	[tilespmem:$0x100F0] =	vst v8  }
0x27: {  	[tilespmem:$0x10100] =	vst v8  }
0x28: {  	[tilespmem:$0x10110] =	vst v8  }
0x29: {  	[tilespmem:$0x10120] =	vst v8  }
0x2a: {  	[tilespmem:$0x10130] =	vst v8  }
0x2b: {  	[tilespmem:$0x10140] =	vst v8  }
0x2c: {  	[tilespmem:$0x10150] =	vst v8  }
0x2d: {  	[tilespmem:$0x10160] =	vst v8  }
0x2e: {  	[tilespmem:$0x10170] =	vst v8  }
0x2f: {  	[tilespmem:$0x10180] =	vst v8  }
0x30: {  	[tilespmem:$0x10190] =	vst v8  }
0x31: {  	[tilespmem:$0x101A0] =	vst v8  }
0x32: {  	[tilespmem:$0x101B0] =	vst v8  }
0x33: {  	[tilespmem:$0x101C0] =	vst v8  }
0x34: {  	[tilespmem:$0x101D0] =	vst v8  }
0x35: {  	[tilespmem:$0x101E0] =	vst v8  }
0x36: {  	[tilespmem:$0x101F0] =	vst v8  }
0x37: {  	[tilespmem:$0x10200] =	vst v8  }
0x38: {  	[tilespmem:$0x10210] =	vst v8  }
0x39: {  	[tilespmem:$0x10220] =	vst v8  }
0x3a: {  	[tilespmem:$0x10230] =	vst v8  }
0x3b: {  	[tilespmem:$0x10240] =	vst v8  }
0x3c: {  	[tilespmem:$0x10250] =	vst v8  }
0x3d: {  	[tilespmem:$0x10260] =	vst v8  }
0x3e: {  	[tilespmem:$0x10270] =	vst v8  }
0x3f: {  	[tilespmem:$0x10280] =	vst v8  }
0x40: {  	[tilespmem:$0x10290] =	vst v8  }
0x41: {  	[tilespmem:$0x102A0] =	vst v8  }
0x42: {  	[tilespmem:$0x102B0] =	vst v8  }
0x43: {  	[tilespmem:$0x102C0] =	vst v8  }
0x44: {  	[tilespmem:$0x102D0] =	vst v8  }
0x45: {  	[tilespmem:$0x102E0] =	vst v8  }
0x46: {  	[tilespmem:$0x102F0] =	vst v8  }
0x47: {  	[tilespmem:$0x10300] =	vst v8  }
0x48: {  	[tilespmem:$0x10310] =	vst v8  }
0x49: {  	[tilespmem:$0x10320] =	vst v8  }
0x4a: {  	[tilespmem:$0x10330] =	vst v8  }
0x4b: {  	[tilespmem:$0x10340] =	vst v8  }
0x4c: {  	[tilespmem:$0x10350] =	vst v8  }
0x4d: {  	[tilespmem:$0x10360] =	vst v8  }
0x4e: {  	[tilespmem:$0x10370] =	vst v8  }
0x4f: {  	[tilespmem:$0x10380] =	vst v8  }
0x50: {  	[tilespmem:$0x10390] =	vst v8  }
0x51: {  	[tilespmem:$0x103A0] =	vst v8  }
0x52: {  	[tilespmem:$0x103B0] =	vst v8  }
0x53: {  	[tilespmem:$0x103C0] =	vst v8  }
0x54: {  	[tilespmem:$0x103D0] =	vst v8  }
0x55: {  	[tilespmem:$0x103E0] =	vst v8  }
0x56: {  	[tilespmem:$0x103F0] =	vst v8  }
0x57: {  	[tilespmem:$0x10400] =	vst v0  }
0x58: {  	[tilespmem:$0x10480] =	vst v1  }
0x59: {  	[tilespmem:$0x10410] =	vst v0  }
0x5a: {  	[tilespmem:$0x10490] =	vst v1  }
0x5b: {  	[tilespmem:$0x10420] =	vst v2  }
0x5c: {  	[tilespmem:$0x104A0] =	vst v3  }
0x5d: {  	[tilespmem:$0x10430] =	vst v2  }
0x5e: {  	[tilespmem:$0x104B0] =	vst v3  }
0x5f: {  	[tilespmem:$0x10440] =	vst v4  }
0x60: {  	[tilespmem:$0x104C0] =	vst v5  }
0x61: {  	[tilespmem:$0x10450] =	vst v4  }
0x62: {  	[tilespmem:$0x104D0] =	vst v5  }
0x63: {  	[tilespmem:$0x10460] =	vst v6  }
0x64: {  	[tilespmem:$0x104E0] =	vst v7  }
0x65: {  	[tilespmem:$0x10470] =	vst v6  }
0x66: {  	[tilespmem:$0x104F0] =	vst v7  }
0x67: {  	[tilespmem:s3], [sflag:$0x1] =	stream.linear.gather [hbm4b:s4+s3], $0x8000, $0x38;
	[tilespmem:$0x10D00] =	vst v63  }
0x68: {  	_ = 	snop  }
0x69: {  	[tilespmem:s13], [sflag:$0x2] =	stream.linear.gather [hbm4b:s5+s3], $0x8000, $0x38;
	[tilespmem:$0x10D00] =	vst v63  }
0x6a: {  	_ = 	snop  }
0x6b: {  	[spmem:s6] =	stream.linear.scatter [tilespmem:s14], [sflag:$0x3], $0x400, $0x38;
	[tilespmem:$0x10D00] =	vst v63  }
0x6c: {  	_ =	swait.ge [sflag:s15], $0x400  }
0x6d: {  	[sflag:s15] =	ssyncset.done $0x0  }
0x6e: {  	[sflag:s15] =	ssyncadd.s32 $0xFFFFFC00  }
0x6f: {  	_ =	swait.ge [sflag:s16], $0x8000  }
0x70: {  	[sflag:s16] =	ssyncset.done $0x0  }
0x71: {  	[sflag:s16] =	ssyncadd.s32 $0xFFFF8000  }
0x72: {  	[spmem:s2] =	stream.indirect.scatter.add.f32 [tilespmem:s3], [sflag:$0x3], $0x80, s18, s17, $0xb8;
	[tilespmem:$0x10D00] =	vst v63  }
0x73: {  	_ =	swait.ge [sflag:s15], $0x4000  }
0x74: {  	[sflag:s15] =	ssyncset.done $0x0  }
0x75: {  	[sflag:s15] =	ssyncadd.s32 $0xFFFFC000  }
0x76: {  	[spmem:s2] =	stream.indirect.scatter.add.f32 [tilespmem:s20], [sflag:$0x3], $0x80, s19, s17, $0xb8;
	[tilespmem:$0x10D00] =	vst v63  }
0x77: {  	_ =	swait.ge [sflag:s15], $0x4000  }
0x78: {  	[sflag:s15] =	ssyncset.done $0x0  }
0x79: {  	s26 =	sadd.s32 $0xFFFFF000, s12;
	s28 =	sadd.s32 $0x0, s11;
	[sflag:s15] =	ssyncadd.s32 $0xFFFFC000  }
0x7a: {  	[tilespmem:s3], [sflag:$0x1] =	stream.linear.gather [hbm4b:s26+s3], $0x8000, $0x38;
	[tilespmem:$0x10D00] =	vst v63  }
0x7b: {  	[hbm:s28], [sflag:s21] =	dma.local [spmem:s22], $0x80  }
0x7c: {  	_ =	swait.ge [sflag:s15], $0x80  }
0x7d: {  	[sflag:s15] =	ssyncset.done $0x0  }
0x7e: {  	[sflag:s15] =	ssyncadd.s32 $0xFFFFFF80  }
0x7f: {  	[spmem:s6] =	stream.linear.scatter [tilespmem:s14], [sflag:$0x3], $0x400, $0x38;
	[tilespmem:$0x10D00] =	vst v63  }
0x80: {  	_ =	swait.ge [sflag:s15], $0x400  }
0x81: {  	[sflag:s15] =	ssyncset.done $0x0  }
0x82: {  	[sflag:s15] =	ssyncadd.s32 $0xFFFFFC00  }
0x83: {  	_ =	swait.ge [sflag:s23], $0x8000  }
0x84: {  	[sflag:s23] =	ssyncset.done $0x0  }
0x85: {  	[sflag:s23] =	ssyncadd.s32 $0xFFFF8000  }
0x86: {  	[spmem:s2] =	stream.indirect.scatter.add.f32 [tilespmem:s13], [sflag:$0x3], $0x80, s18, s17, $0xb8;
	[tilespmem:$0x10D00] =	vst v63  }
0x87: {  	_ =	swait.ge [sflag:s15], $0x4000  }
0x88: {  	[sflag:s15] =	ssyncset.done $0x0  }
0x89: {  	[sflag:s15] =	ssyncadd.s32 $0xFFFFC000  }
0x8a: {  	[spmem:s2] =	stream.indirect.scatter.add.f32 [tilespmem:s24], [sflag:$0x3], $0x80, s19, s17, $0xb8;
	[tilespmem:$0x10D00] =	vst v63  }
0x8b: {  	_ =	swait.ge [sflag:s15], $0x4000  }
0x8c: {  	[sflag:s15] =	ssyncset.done $0x0  }
0x8d: {  	s31 =	sadd.s32 $0x0, s10;
	[sflag:s15] =	ssyncadd.s32 $0xFFFFC000  }
0x8e: {  	[tilespmem:s13], [sflag:$0x2] =	stream.linear.gather [hbm4b:s12+s3], $0x8000, $0x38;
	[tilespmem:$0x10D00] =	vst v63  }
0x8f: {  	[hbm:s31], [sflag:s21] =	dma.local [spmem:s22], $0x80  }
0x90: {  	_ =	swait.ge [sflag:s15], $0x80  }
0x91: {  	s26 =	simm.s32 $0x100;
	s28 =	smov.u32 s12;
	[sflag:s15] =	ssyncset.done $0x0  }
.LBB2_2:
0x92: {  	p0 =	sne.s32 s26, $0x300;
	[sflag:s15] =	ssyncadd.s32 $0xFFFFFF80;
	s28 =	sadd.s32 $0x2000, s28  }
0x93: {  	[spmem:s6] =	stream.linear.scatter [tilespmem:s14], [sflag:$0x3], $0x400, $0x38;
	[tilespmem:$0x10D00] =	vst v63  }
0x94: {  	s29 =	smov.u32 s26;
	s26 =	sadd.s32 $0x100, s26;
	_ =	swait.ge [sflag:s15], $0x400  }
0x95: {  	[sflag:s15] =	ssyncset.done $0x0  }
0x96: {  	[sflag:s15] =	ssyncadd.s32 $0xFFFFFC00  }
0x97: {  	_ =	swait.ge [sflag:s16], $0x8000  }
0x98: {  	[sflag:s16] =	ssyncset.done $0x0  }
0x99: {  	[sflag:s16] =	ssyncadd.s32 $0xFFFF8000  }
0x9a: {  	[spmem:s2] =	stream.indirect.scatter.add.f32 [tilespmem:s3], [sflag:$0x3], $0x80, s18, s17, $0xb8;
	[tilespmem:$0x10D00] =	vst v63  }
0x9b: {  	_ =	swait.ge [sflag:s15], $0x4000  }
0x9c: {  	[sflag:s15] =	ssyncset.done $0x0  }
0x9d: {  	[sflag:s15] =	ssyncadd.s32 $0xFFFFC000  }
0x9e: {  	[spmem:s2] =	stream.indirect.scatter.add.f32 [tilespmem:s20], [sflag:$0x3], $0x80, s19, s17, $0xb8;
	[tilespmem:$0x10D00] =	vst v63  }
0x9f: {  	_ =	swait.ge [sflag:s15], $0x4000  }
0xa0: {  	[sflag:s15] =	ssyncset.done $0x0  }
0xa1: {  	s30 =	sadd.s32 $0xFFFFF000, s28;
	s31 =	sadd.s32 s29, s11;
	[sflag:s15] =	ssyncadd.s32 $0xFFFFC000  }
0xa2: {  	[tilespmem:s3], [sflag:$0x1] =	stream.linear.gather [hbm4b:s30+s3], $0x8000, $0x38;
	[tilespmem:$0x10D00] =	vst v63  }
0xa3: {  	[hbm:s31], [sflag:s21] =	dma.local [spmem:s22], $0x80  }
0xa4: {  	_ =	swait.ge [sflag:s15], $0x80  }
0xa5: {  	[sflag:s15] =	ssyncset.done $0x0  }
0xa6: {  	[sflag:s15] =	ssyncadd.s32 $0xFFFFFF80  }
0xa7: {  	[spmem:s6] =	stream.linear.scatter [tilespmem:s14], [sflag:$0x3], $0x400, $0x38;
	[tilespmem:$0x10D00] =	vst v63  }
0xa8: {  	_ =	swait.ge [sflag:s15], $0x400  }
0xa9: {  	[sflag:s15] =	ssyncset.done $0x0  }
0xaa: {  	[sflag:s15] =	ssyncadd.s32 $0xFFFFFC00  }
0xab: {  	_ =	swait.ge [sflag:s23], $0x8000  }
0xac: {  	[sflag:s23] =	ssyncset.done $0x0  }
0xad: {  	[sflag:s23] =	ssyncadd.s32 $0xFFFF8000  }
0xae: {  	[spmem:s2] =	stream.indirect.scatter.add.f32 [tilespmem:s13], [sflag:$0x3], $0x80, s18, s17, $0xb8;
	[tilespmem:$0x10D00] =	vst v63  }
0xaf: {  	_ =	swait.ge [sflag:s15], $0x4000  }
0xb0: {  	[sflag:s15] =	ssyncset.done $0x0  }
0xb1: {  	[sflag:s15] =	ssyncadd.s32 $0xFFFFC000  }
0xb2: {  	[spmem:s2] =	stream.indirect.scatter.add.f32 [tilespmem:s24], [sflag:$0x3], $0x80, s19, s17, $0xb8;
	[tilespmem:$0x10D00] =	vst v63  }
0xb3: {  	_ =	swait.ge [sflag:s15], $0x4000  }
0xb4: {  	[sflag:s15] =	ssyncset.done $0x0  }
.Ltmp0:
0xb5: {  	s29 =	sadd.s32 s29, s10;
	[sflag:s15] =	ssyncadd.s32 $0xFFFFC000;
	(pc) =	sbr.rel @p0 .LBB2_2-.Ltmp0, $4  }
0xb6: {  	[tilespmem:s13], [sflag:$0x2] =	stream.linear.gather [hbm4b:s28+s3], $0x8000, $0x38;
	[tilespmem:$0x10D00] =	vst v63  }
0xb7: {  	[hbm:s29], [sflag:s21] =	dma.local [spmem:s22], $0x80  }
0xb8: {  	_ =	swait.ge [sflag:s15], $0x80  }
0xb9: {  	[sflag:s15] =	ssyncset.done $0x0  }
0xba: {  	[sflag:s15] =	ssyncadd.s32 $0xFFFFFF80  }
0xbb: {  	[spmem:s6] =	stream.linear.scatter [tilespmem:s14], [sflag:$0x3], $0x400, $0x38;
	[tilespmem:$0x10D00] =	vst v63  }
0xbc: {  	_ =	swait.ge [sflag:s15], $0x400  }
0xbd: {  	[sflag:s15] =	ssyncset.done $0x0  }
0xbe: {  	[sflag:s15] =	ssyncadd.s32 $0xFFFFFC00  }
0xbf: {  	_ =	swait.ge [sflag:s16], $0x8000  }
0xc0: {  	[sflag:s16] =	ssyncset.done $0x0  }
0xc1: {  	[sflag:s16] =	ssyncadd.s32 $0xFFFF8000  }
0xc2: {  	[spmem:s2] =	stream.indirect.scatter.add.f32 [tilespmem:s3], [sflag:$0x3], $0x80, s18, s17, $0xb8;
	[tilespmem:$0x10D00] =	vst v63  }
0xc3: {  	_ =	swait.ge [sflag:s15], $0x4000  }
0xc4: {  	[sflag:s15] =	ssyncset.done $0x0  }
0xc5: {  	[sflag:s15] =	ssyncadd.s32 $0xFFFFC000  }
0xc6: {  	[spmem:s2] =	stream.indirect.scatter.add.f32 [tilespmem:s20], [sflag:$0x3], $0x80, s19, s17, $0xb8;
	[tilespmem:$0x10D00] =	vst v63  }
0xc7: {  	_ =	swait.ge [sflag:s15], $0x4000  }
0xc8: {  	[sflag:s15] =	ssyncset.done $0x0  }
0xc9: {  	[sflag:s15] =	ssyncadd.s32 $0xFFFFC000  }
0xca: {  	[hbm:s8], [sflag:s21] =	dma.local [spmem:s22], $0x80  }
0xcb: {  	_ =	swait.ge [sflag:s15], $0x80  }
0xcc: {  	[sflag:s15] =	ssyncset.done $0x0  }
0xcd: {  	[sflag:s15] =	ssyncadd.s32 $0xFFFFFF80  }
0xce: {  	[spmem:s6] =	stream.linear.scatter [tilespmem:s14], [sflag:$0x3], $0x400, $0x38;
	[tilespmem:$0x10D00] =	vst v63  }
0xcf: {  	_ =	swait.ge [sflag:s15], $0x400  }
0xd0: {  	[sflag:s15] =	ssyncset.done $0x0  }
0xd1: {  	[sflag:s15] =	ssyncadd.s32 $0xFFFFFC00  }
0xd2: {  	_ =	swait.ge [sflag:s23], $0x8000  }
0xd3: {  	[sflag:s23] =	ssyncset.done $0x0  }
0xd4: {  	[sflag:s23] =	ssyncadd.s32 $0xFFFF8000  }
0xd5: {  	[spmem:s2] =	stream.indirect.scatter.add.f32 [tilespmem:s13], [sflag:$0x3], $0x80, s18, s17, $0xb8;
	[tilespmem:$0x10D00] =	vst v63  }
0xd6: {  	_ =	swait.ge [sflag:s15], $0x4000  }
0xd7: {  	[sflag:s15] =	ssyncset.done $0x0  }
0xd8: {  	[sflag:s15] =	ssyncadd.s32 $0xFFFFC000  }
0xd9: {  	[spmem:s2] =	stream.indirect.scatter.add.f32 [tilespmem:s24], [sflag:$0x3], $0x80, s19, s17, $0xb8;
	[tilespmem:$0x10D00] =	vst v63  }
0xda: {  	s25 =	sadd.s32 $0x1, s25;
	_ =	swait.ge [sflag:s15], $0x4000  }
0xdb: {  	p0 =	sne.s32 s25, s7;
	[sflag:s15] =	ssyncset.done $0x0  }
.Ltmp1:
0xdc: {  	[sflag:s15] =	ssyncadd.s32 $0xFFFFC000;
	(pc) =	sbr.rel @p0 .LBB2_1-.Ltmp1, $4  }
0xdd: {  	[hbm:s9], [sflag:s21] =	dma.local [spmem:s22], $0x80  }
0xde: {  	_ =	swait.ge [sflag:s15], $0x80  }
0xdf: {  	[sflag:s15] =	ssyncset.done $0x0  }
0xe0: {  	[sflag:s15] =	ssyncadd.s32 $0xFFFFFF80  }
0xe1: {  	_ =	sfence.sel $0x180000  }
0xe2: {  	[bflag:$0x0] =	sbarrier.arrive $0xFFFF  }
0xe3: {  	p0 =	sne.s32 s1, $0x0;
	_ =	strace $0x90000047  }
0xe4: {  	s0 =	sadd.s32 @!p0 $0x100000, s0;
	[bflag:$0x2] =	sbarrier.arrive $0xFFFF  }
0xe5: {  	[sflag:s0] =	ssyncadd.tile.s32 @!p0 $0x1;
	_ =	shalt  }
.Lfunc_end2:
_tile_overlayer_lowered:
.L_overlay_start_2:
0xe6: {  	(tag) =	ssettag $0x2  }
0xe7: {  	s0 =	rddreg [dreg:$0x0];
	s2 =	stileid.u32  }
0xe8: {  	s1 =	rddreg [dreg:$0x1];
	p0 =	sne.s32 s2, $0x0  }
0xe9: {  	s3 =	rddreg [dreg:$0x2];
	[bflag:$0x3] =	sbarrier.arrive $0xFFFF;
	s2 =	simm.s32 @!p0 $0x1C03  }
0xea: {  	[timem:s3], [sflag:s2] =	dma.local @!p0 [hbm:s0], s1  }
0xeb: {  	s0 =	simm.s32 @!p0 $0x3  }
0xec: {  	_ =	swait.ge @!p0 [sflag:s0], s1  }
0xed: {  	s1 =	ssub.s32 @!p0 $0x0, s1;
	[sflag:s0] =	ssyncset.done @!p0 $0x0  }
0xee: {  	[sflag:s0] =	ssyncadd.s32 @!p0 s1  }
0xef: {  	[bflag:$0x3] =	sbarrier.arrive $0xFFFF  }
0xf0: {  	_ =	shalt  }

</sc_bundles>
